<compile_context>
chip_gen: v7x
topology: tpu7x:2x2x1
jax: 0.10.2.dev20260603
libtpu: 0.0.44.dev20260713+nightly
codegen_flags: <defaults>
</compile_context>

<pallas_src>
import functools

import jax
import jax.numpy as jnp
from jax import lax
from jax.experimental import pallas as pl
from jax.experimental.pallas import tpu as pltpu
from jax.experimental.pallas import tpu_sc as plsc

N = 10000
E = 320000
D = 128

NC = 2
NS = 16
NW = NC * NS

C = 128

CPW = 80
NCHUNKP = NW * CPW
EPAD = NCHUNKP * C

CPW2 = 160
NCHUNK2P = NW * CPW2
E2PAD = NCHUNK2P * C

NPAD = 10128
HPAD = 20480

_ROWS_PER_SUB = NPAD // NS
_HROWS_PER_SUB = HPAD // NS

_SC_PARAMS = pltpu.CompilerParams(use_tc_tiling_on_sc=False)


def _worker_id():
  return lax.axis_index("s") * NC + lax.axis_index("c")


_DBATCH = 8


def _deg_body(idx_hbm, zeros_hbm, ones_hbm, out_hbm, idx_v, ones_v, hist, sem):
  c = lax.axis_index("c")
  s = lax.axis_index("s")
  wid = _worker_id()

  pltpu.sync_copy(zeros_hbm.at[pl.ds(s * _HROWS_PER_SUB, _HROWS_PER_SUB)],
                  hist.at[pl.ds(s * _HROWS_PER_SUB, _HROWS_PER_SUB)])
  pltpu.sync_copy(ones_hbm, ones_v)
  pltpu.sync_copy(idx_hbm.at[pl.ds(wid * CPW2, CPW2)], idx_v)
  plsc.subcore_barrier()

  def body(g, carry):
    for b in range(_DBATCH):
      pltpu.async_copy(ones_v, hist.at[idx_v.at[g * _DBATCH + b]], sem,
                       add=True)
    for b in range(_DBATCH):
      pltpu.make_async_copy(ones_v, hist.at[idx_v.at[g * _DBATCH + b]],
                            sem).wait()
    return carry

  lax.fori_loop(0, CPW2 // _DBATCH, body, 0, unroll=False)
  plsc.subcore_barrier()

  pltpu.sync_copy(hist.at[pl.ds(s * _HROWS_PER_SUB, _HROWS_PER_SUB)],
                  out_hbm.at[c, pl.ds(s * _HROWS_PER_SUB, _HROWS_PER_SUB)])


_deg_kernel = functools.partial(
    pl.kernel,
    out_type=jax.ShapeDtypeStruct((NC, HPAD, 16), jnp.float32),
    mesh=plsc.VectorSubcoreMesh(core_axis_name="c", subcore_axis_name="s"),
    scratch_types=[
        pltpu.VMEM((CPW2, C), jnp.int32),
        pltpu.VMEM((C, 16), jnp.float32),
        pltpu.VMEM_SHARED((HPAD, 16), jnp.float32),
        pltpu.SemaphoreType.DMA,
    ],
    compiler_params=_SC_PARAMS,
)(_deg_body)


CA = 64
CPWA = EPAD // (NW * CA)
QC = CPWA // 2
NB = 4


def _agg_body(h_hbm, src_hbm, dst_hbm, zeros_hbm, out_hbm,
              src_v, dst_v, rows, sems, hist):
  c = lax.axis_index("c")
  s = lax.axis_index("s")
  wid = _worker_id()

  pltpu.sync_copy(zeros_hbm.at[pl.ds(s * _ROWS_PER_SUB, _ROWS_PER_SUB)],
                  hist.at[pl.ds(s * _ROWS_PER_SUB, _ROWS_PER_SUB)])
  plsc.subcore_barrier()

  def quarter(q, carry):
    base = wid * CPWA + q * QC
    pltpu.sync_copy(src_hbm.at[pl.ds(base, QC)], src_v)
    pltpu.sync_copy(dst_hbm.at[pl.ds(base, QC)], dst_v)
    for b in range(NB - 1):
      pltpu.async_copy(h_hbm.at[src_v.at[b]], rows[b], sems[b])

    def body(g, carry2):
      for b in range(NB):
        j = g * NB + b
        pltpu.make_async_copy(h_hbm.at[src_v.at[j]], rows[b], sems[b]).wait()

        @pl.when(j + NB - 1 < QC)
        def _():
          pltpu.async_copy(h_hbm.at[src_v.at[j + NB - 1]],
                           rows[(b + NB - 1) % NB], sems[(b + NB - 1) % NB])

        pltpu.sync_copy(rows[b], hist.at[dst_v.at[j]], add=True)
      return carry2

    lax.fori_loop(0, QC // NB, body, 0, unroll=False)
    return carry

  lax.fori_loop(0, 2, quarter, 0, unroll=False)
  plsc.subcore_barrier()

  pltpu.sync_copy(hist.at[pl.ds(s * _ROWS_PER_SUB, _ROWS_PER_SUB)],
                  out_hbm.at[c, pl.ds(s * _ROWS_PER_SUB, _ROWS_PER_SUB)])


_agg_kernel = functools.partial(
    pl.kernel,
    out_type=jax.ShapeDtypeStruct((NC, NPAD, D), jnp.float32),
    mesh=plsc.VectorSubcoreMesh(core_axis_name="c", subcore_axis_name="s"),
    scratch_types=[
        pltpu.VMEM((QC, CA), jnp.int32),
        pltpu.VMEM((QC, CA), jnp.int32),
        [pltpu.VMEM((CA, D), jnp.float32)] * NB,
        [pltpu.SemaphoreType.DMA] * NB,
        pltpu.VMEM_SHARED((NPAD, D), jnp.float32),
    ],
    compiler_params=_SC_PARAMS,
)(_agg_body)


_RB = 2000


def _norm_scale_body(do0, do1, di0, di1, x, h_out, nd_out):
  deg_out = do0[0, :, 0] + do1[0, :, 0]
  deg_in = di0[0, :, 0] + di1[0, :, 0]
  norm_src = lax.rsqrt(jnp.maximum(deg_out, 1.0))
  norm_dst = lax.rsqrt(jnp.maximum(deg_in, 1.0))
  h_out[...] = x[...] * norm_src[:, None]
  nd_out[...] = norm_dst[:, None]


def _norm_scale(hist_parts, in_feat):
  nb = N // _RB
  return pl.pallas_call(
      _norm_scale_body,
      grid=(nb,),
      in_specs=[
          pl.BlockSpec((1, _RB, 16), lambda i: (0, i, 0)),
          pl.BlockSpec((1, _RB, 16), lambda i: (1, i, 0)),
          pl.BlockSpec((1, _RB, 16), lambda i: (0, i + nb, 0)),
          pl.BlockSpec((1, _RB, 16), lambda i: (1, i + nb, 0)),
          pl.BlockSpec((_RB, D), lambda i: (i, 0)),
      ],
      out_specs=[
          pl.BlockSpec((_RB, D), lambda i: (i, 0)),
          pl.BlockSpec((_RB, 1), lambda i: (i, 0)),
      ],
      out_shape=[
          jax.ShapeDtypeStruct((N, D), jnp.float32),
          jax.ShapeDtypeStruct((N, 1), jnp.float32),
      ],
  )(hist_parts, hist_parts, hist_parts, hist_parts, in_feat)


def _out_body(p0, p1, nd, w, bias, out):
  a = (p0[0] + p1[0]) * nd[...]
  y = jnp.dot(a, w[...], preferred_element_type=jnp.float32) + bias[...]
  out[...] = jnp.maximum(y, 0.0)


def _final(agg_parts, norm_dst, W, b2d):
  nb = N // _RB
  return pl.pallas_call(
      _out_body,
      grid=(nb,),
      in_specs=[
          pl.BlockSpec((1, _RB, D), lambda i: (0, i, 0)),
          pl.BlockSpec((1, _RB, D), lambda i: (1, i, 0)),
          pl.BlockSpec((_RB, 1), lambda i: (i, 0)),
          pl.BlockSpec((D, D), lambda i: (0, 0)),
          pl.BlockSpec((1, D), lambda i: (0, 0)),
      ],
      out_specs=pl.BlockSpec((_RB, D), lambda i: (i, 0)),
      out_shape=jax.ShapeDtypeStruct((N, D), jnp.float32),
  )(agg_parts, agg_parts, norm_dst, W, b2d)


@jax.jit
def kernel(in_feat, edge_index, W, b):
  src = edge_index[0]
  dst = edge_index[1]
  cyc = jnp.arange(EPAD - E, dtype=jnp.int32) % 128
  cyc2 = jnp.arange(E2PAD - 2 * E, dtype=jnp.int32) % 128
  src_pad = jnp.concatenate([src, cyc]).reshape(EPAD // CA, CA)
  dst_pad = jnp.concatenate([dst, N + cyc]).reshape(EPAD // CA, CA)
  idx_all = jnp.concatenate([src, dst + N, 2 * N + cyc2]).reshape(NCHUNK2P, C)

  zeros_hist = jnp.zeros((HPAD, 16), jnp.float32)
  ones_c = jnp.zeros((C, 16), jnp.float32).at[:, 0].set(1.0)
  zeros_agg = jnp.zeros((NPAD, D), jnp.float32)

  hist_parts = _deg_kernel(idx_all, zeros_hist, ones_c)
  h, norm_dst = _norm_scale(hist_parts, in_feat)
  agg_parts = _agg_kernel(h, src_pad, dst_pad, zeros_agg)
  return _final(agg_parts, norm_dst, W, b.reshape(1, D))

# --- scband reference (transcript-rebuilt; emitter-appended) ---
"""Pipeline reference for scband-gcnstudent-42494406427536 (READ-ONLY COPY).

The authoritative reference and input builder live on the scoring server;
editing this copy changes nothing except your own understanding.
"""

import jax, jax.numpy as jnp
import numpy as np

N, E, DIN, DOUT = 10000, 320000, 128, 128

def setup_inputs(seed: int = 0):
    key = jax.random.key(seed)
    k1, k2, k3 = jax.random.split(key, 3)
    in_feat = jax.random.normal(k1, (N, DIN), dtype=jnp.float32)
    edge_index = jax.random.randint(k2, (2, E), 0, N, dtype=jnp.int32)
    # GraphConv learned params: weight (in_feats, out_feats), bias (out_feats,)
    W = jax.random.normal(k3, (DIN, DOUT), dtype=jnp.float32) * (1.0 / np.sqrt(DIN))
    b = jnp.zeros((DOUT,), dtype=jnp.float32)
    return {"in_feat": in_feat, "edge_index": edge_index, "W": W, "b": b}

def reference(in_feat, edge_index, W, b):
    # DGL GraphConv with norm='both':
    #   h = relu( D_in^{-1/2} A D_out^{-1/2} X W + b )
    # in_feats == out_feats so aggregate-then-matmul (DGL order when in <= out).
    src = edge_index[0]
    dst = edge_index[1]
    deg_out = jnp.bincount(src, length=N).astype(jnp.float32)
    deg_in = jnp.bincount(dst, length=N).astype(jnp.float32)
    norm_src = jnp.clip(deg_out, 1.0, None) ** -0.5
    norm_dst = jnp.clip(deg_in, 1.0, None) ** -0.5
    h = in_feat * norm_src[:, None]
    msgs = jnp.take(h, src, axis=0)                 # gather per-edge source features
    agg = jax.ops.segment_sum(msgs, dst, num_segments=N)  # scatter-add to dst nodes
    agg = agg * norm_dst[:, None]
    out = agg @ W + b
    return jax.nn.relu(out)

if __name__ == "__main__":
    import jax
    _d = setup_inputs()
    print(jax.jit(kernel)(*tuple(_d.values())))

</pallas_src>

<mosaic_0001>
#map = affine_map<(d0, d1) -> (0, 0)>
#map1 = affine_map<(d0, d1) -> (0, 0, 0)>
module attributes {stable_mosaic.version = 14 : i64} {
  func.func @_deg_body(%arg0: i32, %arg1: i32, %arg2: memref<5120x128xi32, #tpu.memory_space<hbm>>, %arg3: memref<20480x16xf32, #tpu.memory_space<hbm>>, %arg4: memref<128x16xf32, #tpu.memory_space<hbm>>, %arg5: memref<2x20480x16xf32, #tpu.memory_space<hbm>>, %arg6: memref<160x128xi32, #tpu.memory_space<vmem>>, %arg7: memref<128x16xf32, #tpu.memory_space<vmem>>, %arg8: memref<20480x16xf32, #tpu.memory_space<vmem_shared>>, %arg9: memref<!tpu.dma_semaphore, #tpu.memory_space<semaphore_mem>>) attributes {dimension_semantics = [#tpu.dimension_semantics<core_parallel>, #tpu.dimension_semantics<subcore_parallel>], iteration_bounds = array<i64: 2, 16>, scalar_prefetch = 0 : i64, scratch_operands = 4 : i64, tpu.core_type = #tpu.core_type<sc_vector_subcore>, window_params = [{transform_indices = #map}, {transform_indices = #map}, {transform_indices = #map}, {transform_indices = #map1}]} {
    %mul3A = arith.constant 2 : i32
    %mul3A_0 = arith.muli %arg1, %mul3A : i32
    %add3A = arith.addi %mul3A_0, %arg0 : i32
    %mul3A_1 = arith.constant 1280 : i32
    %mul3A_2 = arith.muli %arg1, %mul3A_1 : i32
    %mul3A_3 = arith.constant 1280 : i32
    %mul3A_4 = arith.muli %arg1, %mul3A_3 : i32
    "tpu.region"() ({
      %run_scoped3A = tpu.sem_alloc : memref<!tpu.dma_semaphore, #tpu.memory_space<semaphore_mem>>
      %dma_start3A = arith.constant 0 : i32
      %dma_start3A_17 = tpu.memref_slice %arg8[%mul3A_4, %dma_start3A] : memref<20480x16xf32, #tpu.memory_space<vmem_shared>> -> memref<1280x16xf32, #tpu.memory_space<vmem_shared>>
      %dma_start3A_18 = arith.constant 0 : i32
      %dma_start3A_19 = tpu.memref_slice %arg3[%mul3A_2, %dma_start3A_18] : memref<20480x16xf32, #tpu.memory_space<hbm>> -> memref<1280x16xf32, #tpu.memory_space<hbm>>
      tpu.enqueue_dma source(%dma_start3A_19 : memref<1280x16xf32, #tpu.memory_space<hbm>>) target(%dma_start3A_17 : memref<1280x16xf32, #tpu.memory_space<vmem_shared>>) target_semaphore(%run_scoped3A : memref<!tpu.dma_semaphore, #tpu.memory_space<semaphore_mem>>)
      %dma_wait3A = arith.constant 0 : i32
      %dma_wait3A_20 = tpu.memref_slice %arg8[%mul3A_4, %dma_wait3A] : memref<20480x16xf32, #tpu.memory_space<vmem_shared>> -> memref<1280x16xf32, #tpu.memory_space<vmem_shared>>
      %dma_wait3A_21 = arith.constant 0 : i32
      %dma_wait3A_22 = tpu.memref_slice %arg3[%mul3A_2, %dma_wait3A_21] : memref<20480x16xf32, #tpu.memory_space<hbm>> -> memref<1280x16xf32, #tpu.memory_space<hbm>>
      tpu.wait_dma2 semaphore(%run_scoped3A : memref<!tpu.dma_semaphore, #tpu.memory_space<semaphore_mem>>) src(%dma_wait3A_22 : memref<1280x16xf32, #tpu.memory_space<hbm>>) dst(%dma_wait3A_20 : memref<1280x16xf32, #tpu.memory_space<vmem_shared>>)
      tpu.yield
    }) : () -> ()
    "tpu.region"() ({
      %run_scoped3A = tpu.sem_alloc : memref<!tpu.dma_semaphore, #tpu.memory_space<semaphore_mem>>
      tpu.enqueue_dma source(%arg4 : memref<128x16xf32, #tpu.memory_space<hbm>>) target(%arg7 : memref<128x16xf32, #tpu.memory_space<vmem>>) target_semaphore(%run_scoped3A : memref<!tpu.dma_semaphore, #tpu.memory_space<semaphore_mem>>)
      tpu.wait_dma2 semaphore(%run_scoped3A : memref<!tpu.dma_semaphore, #tpu.memory_space<semaphore_mem>>) src(%arg4 : memref<128x16xf32, #tpu.memory_space<hbm>>) dst(%arg7 : memref<128x16xf32, #tpu.memory_space<vmem>>)
      tpu.yield
    }) : () -> ()
    %mul3A_5 = arith.constant 160 : i32
    %mul3A_6 = arith.muli %add3A, %mul3A_5 : i32
    "tpu.region"() ({
      %run_scoped3A = tpu.sem_alloc : memref<!tpu.dma_semaphore, #tpu.memory_space<semaphore_mem>>
      %dma_start3A = arith.constant 0 : i32
      %dma_start3A_17 = tpu.memref_slice %arg2[%mul3A_6, %dma_start3A] : memref<5120x128xi32, #tpu.memory_space<hbm>> -> memref<160x128xi32, #tpu.memory_space<hbm>>
      %dma_start3A_18 = arith.constant 0 : i32
      %dma_start3A_19 = tpu.memref_slice %arg2[%mul3A_6, %dma_start3A_18] : memref<5120x128xi32, #tpu.memory_space<hbm>> -> memref<160x128xi32, #tpu.memory_space<hbm>>
      tpu.enqueue_dma source(%dma_start3A_19 : memref<160x128xi32, #tpu.memory_space<hbm>>) target(%arg6 : memref<160x128xi32, #tpu.memory_space<vmem>>) target_semaphore(%run_scoped3A : memref<!tpu.dma_semaphore, #tpu.memory_space<semaphore_mem>>)
      %dma_wait3A = arith.constant 0 : i32
      %dma_wait3A_20 = tpu.memref_slice %arg2[%mul3A_6, %dma_wait3A] : memref<5120x128xi32, #tpu.memory_space<hbm>> -> memref<160x128xi32, #tpu.memory_space<hbm>>
      %dma_wait3A_21 = arith.constant 0 : i32
      %dma_wait3A_22 = tpu.memref_slice %arg2[%mul3A_6, %dma_wait3A_21] : memref<5120x128xi32, #tpu.memory_space<hbm>> -> memref<160x128xi32, #tpu.memory_space<hbm>>
      tpu.wait_dma2 semaphore(%run_scoped3A : memref<!tpu.dma_semaphore, #tpu.memory_space<semaphore_mem>>) src(%dma_wait3A_22 : memref<160x128xi32, #tpu.memory_space<hbm>>) dst(%arg6 : memref<160x128xi32, #tpu.memory_space<vmem>>)
      tpu.yield
    }) : () -> ()
    %barrier3A = arith.constant 0 : index
    tpu.barrier barrier_id(%barrier3A)
    %scan3A = arith.constant 0 : i32
    %scan3A_7 = arith.constant 0 : i32
    %scan3A_8 = arith.constant 20 : i32
    %scan3A_9 = arith.addi %scan3A_7, %scan3A_8 : i32
    %scan3A_10 = arith.constant 1 : i32
    scf.for %scan3A_17 = %scan3A_7 to %scan3A_9 step %scan3A_10  : i32 {
      %mul3A_18 = arith.constant 8 : i32
      %mul3A_19 = arith.muli %scan3A_17, %mul3A_18 : i32
      %add3A_20 = arith.constant 0 : i32
      %add3A_21 = arith.addi %mul3A_19, %add3A_20 : i32
      %dma_start3A = arith.constant 0 : i32
      %dma_start3A_22 = tpu.memref_slice %arg6[%add3A_21, %dma_start3A] : memref<160x128xi32, #tpu.memory_space<vmem>> -> memref<1x128xi32, #tpu.memory_space<vmem>>
      %dma_start3A_23 = tpu.memref_squeeze %dma_start3A_22 : memref<1x128xi32, #tpu.memory_space<vmem>> -> memref<128xi32, #tpu.memory_space<vmem>>
      %dma_start3A_24 = arith.constant 0 : i32
      %dma_start3A_25 = arith.constant 0 : i32
      %dma_start3A_26 = tpu.memref_slice %arg8[%dma_start3A_24, %dma_start3A_25] : memref<20480x16xf32, #tpu.memory_space<vmem_shared>> -> memref<20480x16xf32, #tpu.memory_space<vmem_shared>>
      tpu.enqueue_indirect_dma source(%arg7 : memref<128x16xf32, #tpu.memory_space<vmem>>) target(%dma_start3A_26 : memref<20480x16xf32, #tpu.memory_space<vmem_shared>>) offsets(%dma_start3A_23 : memref<128xi32, #tpu.memory_space<vmem>>) semaphore(%arg9 : memref<!tpu.dma_semaphore, #tpu.memory_space<semaphore_mem>>) {add = true}
      %mul3A_27 = arith.constant 8 : i32
      %mul3A_28 = arith.muli %scan3A_17, %mul3A_27 : i32
      %add3A_29 = arith.constant 1 : i32
      %add3A_30 = arith.addi %mul3A_28, %add3A_29 : i32
      %dma_start3A_31 = arith.constant 0 : i32
      %dma_start3A_32 = tpu.memref_slice %arg6[%add3A_30, %dma_start3A_31] : memref<160x128xi32, #tpu.memory_space<vmem>> -> memref<1x128xi32, #tpu.memory_space<vmem>>
      %dma_start3A_33 = tpu.memref_squeeze %dma_start3A_32 : memref<1x128xi32, #tpu.memory_space<vmem>> -> memref<128xi32, #tpu.memory_space<vmem>>
      %dma_start3A_34 = arith.constant 0 : i32
      %dma_start3A_35 = arith.constant 0 : i32
      %dma_start3A_36 = tpu.memref_slice %arg8[%dma_start3A_34, %dma_start3A_35] : memref<20480x16xf32, #tpu.memory_space<vmem_shared>> -> memref<20480x16xf32, #tpu.memory_space<vmem_shared>>
      tpu.enqueue_indirect_dma source(%arg7 : memref<128x16xf32, #tpu.memory_space<vmem>>) target(%dma_start3A_36 : memref<20480x16xf32, #tpu.memory_space<vmem_shared>>) offsets(%dma_start3A_33 : memref<128xi32, #tpu.memory_space<vmem>>) semaphore(%arg9 : memref<!tpu.dma_semaphore, #tpu.memory_space<semaphore_mem>>) {add = true}
      %mul3A_37 = arith.constant 8 : i32
      %mul3A_38 = arith.muli %scan3A_17, %mul3A_37 : i32
      %add3A_39 = arith.constant 2 : i32
      %add3A_40 = arith.addi %mul3A_38, %add3A_39 : i32
      %dma_start3A_41 = arith.constant 0 : i32
      %dma_start3A_42 = tpu.memref_slice %arg6[%add3A_40, %dma_start3A_41] : memref<160x128xi32, #tpu.memory_space<vmem>> -> memref<1x128xi32, #tpu.memory_space<vmem>>
      %dma_start3A_43 = tpu.memref_squeeze %dma_start3A_42 : memref<1x128xi32, #tpu.memory_space<vmem>> -> memref<128xi32, #tpu.memory_space<vmem>>
      %dma_start3A_44 = arith.constant 0 : i32
      %dma_start3A_45 = arith.constant 0 : i32
      %dma_start3A_46 = tpu.memref_slice %arg8[%dma_start3A_44, %dma_start3A_45] : memref<20480x16xf32, #tpu.memory_space<vmem_shared>> -> memref<20480x16xf32, #tpu.memory_space<vmem_shared>>
      tpu.enqueue_indirect_dma source(%arg7 : memref<128x16xf32, #tpu.memory_space<vmem>>) target(%dma_start3A_46 : memref<20480x16xf32, #tpu.memory_space<vmem_shared>>) offsets(%dma_start3A_43 : memref<128xi32, #tpu.memory_space<vmem>>) semaphore(%arg9 : memref<!tpu.dma_semaphore, #tpu.memory_space<semaphore_mem>>) {add = true}
      %mul3A_47 = arith.constant 8 : i32
      %mul3A_48 = arith.muli %scan3A_17, %mul3A_47 : i32
      %add3A_49 = arith.constant 3 : i32
      %add3A_50 = arith.addi %mul3A_48, %add3A_49 : i32
      %dma_start3A_51 = arith.constant 0 : i32
      %dma_start3A_52 = tpu.memref_slice %arg6[%add3A_50, %dma_start3A_51] : memref<160x128xi32, #tpu.memory_space<vmem>> -> memref<1x128xi32, #tpu.memory_space<vmem>>
      %dma_start3A_53 = tpu.memref_squeeze %dma_start3A_52 : memref<1x128xi32, #tpu.memory_space<vmem>> -> memref<128xi32, #tpu.memory_space<vmem>>
      %dma_start3A_54 = arith.constant 0 : i32
      %dma_start3A_55 = arith.constant 0 : i32
      %dma_start3A_56 = tpu.memref_slice %arg8[%dma_start3A_54, %dma_start3A_55] : memref<20480x16xf32, #tpu.memory_space<vmem_shared>> -> memref<20480x16xf32, #tpu.memory_space<vmem_shared>>
      tpu.enqueue_indirect_dma source(%arg7 : memref<128x16xf32, #tpu.memory_space<vmem>>) target(%dma_start3A_56 : memref<20480x16xf32, #tpu.memory_space<vmem_shared>>) offsets(%dma_start3A_53 : memref<128xi32, #tpu.memory_space<vmem>>) semaphore(%arg9 : memref<!tpu.dma_semaphore, #tpu.memory_space<semaphore_mem>>) {add = true}
      %mul3A_57 = arith.constant 8 : i32
      %mul3A_58 = arith.muli %scan3A_17, %mul3A_57 : i32
      %add3A_59 = arith.constant 4 : i32
      %add3A_60 = arith.addi %mul3A_58, %add3A_59 : i32
      %dma_start3A_61 = arith.constant 0 : i32
      %dma_start3A_62 = tpu.memref_slice %arg6[%add3A_60, %dma_start3A_61] : memref<160x128xi32, #tpu.memory_space<vmem>> -> memref<1x128xi32, #tpu.memory_space<vmem>>
      %dma_start3A_63 = tpu.memref_squeeze %dma_start3A_62 : memref<1x128xi32, #tpu.memory_space<vmem>> -> memref<128xi32, #tpu.memory_space<vmem>>
      %dma_start3A_64 = arith.constant 0 : i32
      %dma_start3A_65 = arith.constant 0 : i32
      %dma_start3A_66 = tpu.memref_slice %arg8[%dma_start3A_64, %dma_start3A_65] : memref<20480x16xf32, #tpu.memory_space<vmem_shared>> -> memref<20480x16xf32, #tpu.memory_space<vmem_shared>>
      tpu.enqueue_indirect_dma source(%arg7 : memref<128x16xf32, #tpu.memory_space<vmem>>) target(%dma_start3A_66 : memref<20480x16xf32, #tpu.memory_space<vmem_shared>>) offsets(%dma_start3A_63 : memref<128xi32, #tpu.memory_space<vmem>>) semaphore(%arg9 : memref<!tpu.dma_semaphore, #tpu.memory_space<semaphore_mem>>) {add = true}
      %mul3A_67 = arith.constant 8 : i32
      %mul3A_68 = arith.muli %scan3A_17, %mul3A_67 : i32
      %add3A_69 = arith.constant 5 : i32
      %add3A_70 = arith.addi %mul3A_68, %add3A_69 : i32
      %dma_start3A_71 = arith.constant 0 : i32
      %dma_start3A_72 = tpu.memref_slice %arg6[%add3A_70, %dma_start3A_71] : memref<160x128xi32, #tpu.memory_space<vmem>> -> memref<1x128xi32, #tpu.memory_space<vmem>>
      %dma_start3A_73 = tpu.memref_squeeze %dma_start3A_72 : memref<1x128xi32, #tpu.memory_space<vmem>> -> memref<128xi32, #tpu.memory_space<vmem>>
      %dma_start3A_74 = arith.constant 0 : i32
      %dma_start3A_75 = arith.constant 0 : i32
      %dma_start3A_76 = tpu.memref_slice %arg8[%dma_start3A_74, %dma_start3A_75] : memref<20480x16xf32, #tpu.memory_space<vmem_shared>> -> memref<20480x16xf32, #tpu.memory_space<vmem_shared>>
      tpu.enqueue_indirect_dma source(%arg7 : memref<128x16xf32, #tpu.memory_space<vmem>>) target(%dma_start3A_76 : memref<20480x16xf32, #tpu.memory_space<vmem_shared>>) offsets(%dma_start3A_73 : memref<128xi32, #tpu.memory_space<vmem>>) semaphore(%arg9 : memref<!tpu.dma_semaphore, #tpu.memory_space<semaphore_mem>>) {add = true}
      %mul3A_77 = arith.constant 8 : i32
      %mul3A_78 = arith.muli %scan3A_17, %mul3A_77 : i32
      %add3A_79 = arith.constant 6 : i32
      %add3A_80 = arith.addi %mul3A_78, %add3A_79 : i32
      %dma_start3A_81 = arith.constant 0 : i32
      %dma_start3A_82 = tpu.memref_slice %arg6[%add3A_80, %dma_start3A_81] : memref<160x128xi32, #tpu.memory_space<vmem>> -> memref<1x128xi32, #tpu.memory_space<vmem>>
      %dma_start3A_83 = tpu.memref_squeeze %dma_start3A_82 : memref<1x128xi32, #tpu.memory_space<vmem>> -> memref<128xi32, #tpu.memory_space<vmem>>
      %dma_start3A_84 = arith.constant 0 : i32
      %dma_start3A_85 = arith.constant 0 : i32
      %dma_start3A_86 = tpu.memref_slice %arg8[%dma_start3A_84, %dma_start3A_85] : memref<20480x16xf32, #tpu.memory_space<vmem_shared>> -> memref<20480x16xf32, #tpu.memory_space<vmem_shared>>
      tpu.enqueue_indirect_dma source(%arg7 : memref<128x16xf32, #tpu.memory_space<vmem>>) target(%dma_start3A_86 : memref<20480x16xf32, #tpu.memory_space<vmem_shared>>) offsets(%dma_start3A_83 : memref<128xi32, #tpu.memory_space<vmem>>) semaphore(%arg9 : memref<!tpu.dma_semaphore, #tpu.memory_space<semaphore_mem>>) {add = true}
      %mul3A_87 = arith.constant 8 : i32
      %mul3A_88 = arith.muli %scan3A_17, %mul3A_87 : i32
      %add3A_89 = arith.constant 7 : i32
      %add3A_90 = arith.addi %mul3A_88, %add3A_89 : i32
      %dma_start3A_91 = arith.constant 0 : i32
      %dma_start3A_92 = tpu.memref_slice %arg6[%add3A_90, %dma_start3A_91] : memref<160x128xi32, #tpu.memory_space<vmem>> -> memref<1x128xi32, #tpu.memory_space<vmem>>
      %dma_start3A_93 = tpu.memref_squeeze %dma_start3A_92 : memref<1x128xi32, #tpu.memory_space<vmem>> -> memref<128xi32, #tpu.memory_space<vmem>>
      %dma_start3A_94 = arith.constant 0 : i32
      %dma_start3A_95 = arith.constant 0 : i32
      %dma_start3A_96 = tpu.memref_slice %arg8[%dma_start3A_94, %dma_start3A_95] : memref<20480x16xf32, #tpu.memory_space<vmem_shared>> -> memref<20480x16xf32, #tpu.memory_space<vmem_shared>>
      tpu.enqueue_indirect_dma source(%arg7 : memref<128x16xf32, #tpu.memory_space<vmem>>) target(%dma_start3A_96 : memref<20480x16xf32, #tpu.memory_space<vmem_shared>>) offsets(%dma_start3A_93 : memref<128xi32, #tpu.memory_space<vmem>>) semaphore(%arg9 : memref<!tpu.dma_semaphore, #tpu.memory_space<semaphore_mem>>) {add = true}
      %mul3A_97 = arith.constant 8 : i32
      %mul3A_98 = arith.muli %scan3A_17, %mul3A_97 : i32
      %add3A_99 = arith.constant 0 : i32
      %add3A_100 = arith.addi %mul3A_98, %add3A_99 : i32
      %dma_wait3A = arith.constant 0 : i32
      %dma_wait3A_101 = tpu.memref_slice %arg6[%add3A_100, %dma_wait3A] : memref<160x128xi32, #tpu.memory_space<vmem>> -> memref<1x128xi32, #tpu.memory_space<vmem>>
      %dma_wait3A_102 = tpu.memref_squeeze %dma_wait3A_101 : memref<1x128xi32, #tpu.memory_space<vmem>> -> memref<128xi32, #tpu.memory_space<vmem>>
      %dma_wait3A_103 = arith.constant 0 : i32
      %dma_wait3A_104 = arith.constant 0 : i32
      %dma_wait3A_105 = tpu.memref_slice %arg8[%dma_wait3A_103, %dma_wait3A_104] : memref<20480x16xf32, #tpu.memory_space<vmem_shared>> -> memref<20480x16xf32, #tpu.memory_space<vmem_shared>>
      tpu.wait_indirect_dma semaphore(%arg9 : memref<!tpu.dma_semaphore, #tpu.memory_space<semaphore_mem>>) src(%arg7 : memref<128x16xf32, #tpu.memory_space<vmem>>) dst(%dma_wait3A_105 : memref<20480x16xf32, #tpu.memory_space<vmem_shared>>)
      %mul3A_106 = arith.constant 8 : i32
      %mul3A_107 = arith.muli %scan3A_17, %mul3A_106 : i32
      %add3A_108 = arith.constant 1 : i32
      %add3A_109 = arith.addi %mul3A_107, %add3A_108 : i32
      %dma_wait3A_110 = arith.constant 0 : i32
      %dma_wait3A_111 = tpu.memref_slice %arg6[%add3A_109, %dma_wait3A_110] : memref<160x128xi32, #tpu.memory_space<vmem>> -> memref<1x128xi32, #tpu.memory_space<vmem>>
      %dma_wait3A_112 = tpu.memref_squeeze %dma_wait3A_111 : memref<1x128xi32, #tpu.memory_space<vmem>> -> memref<128xi32, #tpu.memory_space<vmem>>
      %dma_wait3A_113 = arith.constant 0 : i32
      %dma_wait3A_114 = arith.constant 0 : i32
      %dma_wait3A_115 = tpu.memref_slice %arg8[%dma_wait3A_113, %dma_wait3A_114] : memref<20480x16xf32, #tpu.memory_space<vmem_shared>> -> memref<20480x16xf32, #tpu.memory_space<vmem_shared>>
      tpu.wait_indirect_dma semaphore(%arg9 : memref<!tpu.dma_semaphore, #tpu.memory_space<semaphore_mem>>) src(%arg7 : memref<128x16xf32, #tpu.memory_space<vmem>>) dst(%dma_wait3A_115 : memref<20480x16xf32, #tpu.memory_space<vmem_shared>>)
      %mul3A_116 = arith.constant 8 : i32
      %mul3A_117 = arith.muli %scan3A_17, %mul3A_116 : i32
      %add3A_118 = arith.constant 2 : i32
      %add3A_119 = arith.addi %mul3A_117, %add3A_118 : i32
      %dma_wait3A_120 = arith.constant 0 : i32
      %dma_wait3A_121 = tpu.memref_slice %arg6[%add3A_119, %dma_wait3A_120] : memref<160x128xi32, #tpu.memory_space<vmem>> -> memref<1x128xi32, #tpu.memory_space<vmem>>
      %dma_wait3A_122 = tpu.memref_squeeze %dma_wait3A_121 : memref<1x128xi32, #tpu.memory_space<vmem>> -> memref<128xi32, #tpu.memory_space<vmem>>
      %dma_wait3A_123 = arith.constant 0 : i32
      %dma_wait3A_124 = arith.constant 0 : i32
      %dma_wait3A_125 = tpu.memref_slice %arg8[%dma_wait3A_123, %dma_wait3A_124] : memref<20480x16xf32, #tpu.memory_space<vmem_shared>> -> memref<20480x16xf32, #tpu.memory_space<vmem_shared>>
      tpu.wait_indirect_dma semaphore(%arg9 : memref<!tpu.dma_semaphore, #tpu.memory_space<semaphore_mem>>) src(%arg7 : memref<128x16xf32, #tpu.memory_space<vmem>>) dst(%dma_wait3A_125 : memref<20480x16xf32, #tpu.memory_space<vmem_shared>>)
      %mul3A_126 = arith.constant 8 : i32
      %mul3A_127 = arith.muli %scan3A_17, %mul3A_126 : i32
      %add3A_128 = arith.constant 3 : i32
      %add3A_129 = arith.addi %mul3A_127, %add3A_128 : i32
      %dma_wait3A_130 = arith.constant 0 : i32
      %dma_wait3A_131 = tpu.memref_slice %arg6[%add3A_129, %dma_wait3A_130] : memref<160x128xi32, #tpu.memory_space<vmem>> -> memref<1x128xi32, #tpu.memory_space<vmem>>
      %dma_wait3A_132 = tpu.memref_squeeze %dma_wait3A_131 : memref<1x128xi32, #tpu.memory_space<vmem>> -> memref<128xi32, #tpu.memory_space<vmem>>
      %dma_wait3A_133 = arith.constant 0 : i32
      %dma_wait3A_134 = arith.constant 0 : i32
      %dma_wait3A_135 = tpu.memref_slice %arg8[%dma_wait3A_133, %dma_wait3A_134] : memref<20480x16xf32, #tpu.memory_space<vmem_shared>> -> memref<20480x16xf32, #tpu.memory_space<vmem_shared>>
      tpu.wait_indirect_dma semaphore(%arg9 : memref<!tpu.dma_semaphore, #tpu.memory_space<semaphore_mem>>) src(%arg7 : memref<128x16xf32, #tpu.memory_space<vmem>>) dst(%dma_wait3A_135 : memref<20480x16xf32, #tpu.memory_space<vmem_shared>>)
      %mul3A_136 = arith.constant 8 : i32
      %mul3A_137 = arith.muli %scan3A_17, %mul3A_136 : i32
      %add3A_138 = arith.constant 4 : i32
      %add3A_139 = arith.addi %mul3A_137, %add3A_138 : i32
      %dma_wait3A_140 = arith.constant 0 : i32
      %dma_wait3A_141 = tpu.memref_slice %arg6[%add3A_139, %dma_wait3A_140] : memref<160x128xi32, #tpu.memory_space<vmem>> -> memref<1x128xi32, #tpu.memory_space<vmem>>
      %dma_wait3A_142 = tpu.memref_squeeze %dma_wait3A_141 : memref<1x128xi32, #tpu.memory_space<vmem>> -> memref<128xi32, #tpu.memory_space<vmem>>
      %dma_wait3A_143 = arith.constant 0 : i32
      %dma_wait3A_144 = arith.constant 0 : i32
      %dma_wait3A_145 = tpu.memref_slice %arg8[%dma_wait3A_143, %dma_wait3A_144] : memref<20480x16xf32, #tpu.memory_space<vmem_shared>> -> memref<20480x16xf32, #tpu.memory_space<vmem_shared>>
      tpu.wait_indirect_dma semaphore(%arg9 : memref<!tpu.dma_semaphore, #tpu.memory_space<semaphore_mem>>) src(%arg7 : memref<128x16xf32, #tpu.memory_space<vmem>>) dst(%dma_wait3A_145 : memref<20480x16xf32, #tpu.memory_space<vmem_shared>>)
      %mul3A_146 = arith.constant 8 : i32
      %mul3A_147 = arith.muli %scan3A_17, %mul3A_146 : i32
      %add3A_148 = arith.constant 5 : i32
      %add3A_149 = arith.addi %mul3A_147, %add3A_148 : i32
      %dma_wait3A_150 = arith.constant 0 : i32
      %dma_wait3A_151 = tpu.memref_slice %arg6[%add3A_149, %dma_wait3A_150] : memref<160x128xi32, #tpu.memory_space<vmem>> -> memref<1x128xi32, #tpu.memory_space<vmem>>
      %dma_wait3A_152 = tpu.memref_squeeze %dma_wait3A_151 : memref<1x128xi32, #tpu.memory_space<vmem>> -> memref<128xi32, #tpu.memory_space<vmem>>
      %dma_wait3A_153 = arith.constant 0 : i32
      %dma_wait3A_154 = arith.constant 0 : i32
      %dma_wait3A_155 = tpu.memref_slice %arg8[%dma_wait3A_153, %dma_wait3A_154] : memref<20480x16xf32, #tpu.memory_space<vmem_shared>> -> memref<20480x16xf32, #tpu.memory_space<vmem_shared>>
      tpu.wait_indirect_dma semaphore(%arg9 : memref<!tpu.dma_semaphore, #tpu.memory_space<semaphore_mem>>) src(%arg7 : memref<128x16xf32, #tpu.memory_space<vmem>>) dst(%dma_wait3A_155 : memref<20480x16xf32, #tpu.memory_space<vmem_shared>>)
      %mul3A_156 = arith.constant 8 : i32
      %mul3A_157 = arith.muli %scan3A_17, %mul3A_156 : i32
      %add3A_158 = arith.constant 6 : i32
      %add3A_159 = arith.addi %mul3A_157, %add3A_158 : i32
      %dma_wait3A_160 = arith.constant 0 : i32
      %dma_wait3A_161 = tpu.memref_slice %arg6[%add3A_159, %dma_wait3A_160] : memref<160x128xi32, #tpu.memory_space<vmem>> -> memref<1x128xi32, #tpu.memory_space<vmem>>
      %dma_wait3A_162 = tpu.memref_squeeze %dma_wait3A_161 : memref<1x128xi32, #tpu.memory_space<vmem>> -> memref<128xi32, #tpu.memory_space<vmem>>
      %dma_wait3A_163 = arith.constant 0 : i32
      %dma_wait3A_164 = arith.constant 0 : i32
      %dma_wait3A_165 = tpu.memref_slice %arg8[%dma_wait3A_163, %dma_wait3A_164] : memref<20480x16xf32, #tpu.memory_space<vmem_shared>> -> memref<20480x16xf32, #tpu.memory_space<vmem_shared>>
      tpu.wait_indirect_dma semaphore(%arg9 : memref<!tpu.dma_semaphore, #tpu.memory_space<semaphore_mem>>) src(%arg7 : memref<128x16xf32, #tpu.memory_space<vmem>>) dst(%dma_wait3A_165 : memref<20480x16xf32, #tpu.memory_space<vmem_shared>>)
      %mul3A_166 = arith.constant 8 : i32
      %mul3A_167 = arith.muli %scan3A_17, %mul3A_166 : i32
      %add3A_168 = arith.constant 7 : i32
      %add3A_169 = arith.addi %mul3A_167, %add3A_168 : i32
      %dma_wait3A_170 = arith.constant 0 : i32
      %dma_wait3A_171 = tpu.memref_slice %arg6[%add3A_169, %dma_wait3A_170] : memref<160x128xi32, #tpu.memory_space<vmem>> -> memref<1x128xi32, #tpu.memory_space<vmem>>
      %dma_wait3A_172 = tpu.memref_squeeze %dma_wait3A_171 : memref<1x128xi32, #tpu.memory_space<vmem>> -> memref<128xi32, #tpu.memory_space<vmem>>
      %dma_wait3A_173 = arith.constant 0 : i32
      %dma_wait3A_174 = arith.constant 0 : i32
      %dma_wait3A_175 = tpu.memref_slice %arg8[%dma_wait3A_173, %dma_wait3A_174] : memref<20480x16xf32, #tpu.memory_space<vmem_shared>> -> memref<20480x16xf32, #tpu.memory_space<vmem_shared>>
      tpu.wait_indirect_dma semaphore(%arg9 : memref<!tpu.dma_semaphore, #tpu.memory_space<semaphore_mem>>) src(%arg7 : memref<128x16xf32, #tpu.memory_space<vmem>>) dst(%dma_wait3A_175 : memref<20480x16xf32, #tpu.memory_space<vmem_shared>>)
    }
    %scan3A_11 = arith.constant 20 : i32
    %barrier3A_12 = arith.constant 0 : index
    tpu.barrier barrier_id(%barrier3A_12)
    %mul3A_13 = arith.constant 1280 : i32
    %mul3A_14 = arith.muli %arg1, %mul3A_13 : i32
    %mul3A_15 = arith.constant 1280 : i32
    %mul3A_16 = arith.muli %arg1, %mul3A_15 : i32
    "tpu.region"() ({
      %run_scoped3A = tpu.sem_alloc : memref<!tpu.dma_semaphore, #tpu.memory_space<semaphore_mem>>
      %dma_start3A = arith.constant 0 : i32
      %dma_start3A_17 = tpu.memref_slice %arg5[%arg0, %mul3A_16, %dma_start3A] : memref<2x20480x16xf32, #tpu.memory_space<hbm>> -> memref<1x1280x16xf32, #tpu.memory_space<hbm>>
      %dma_start3A_18 = tpu.memref_squeeze %dma_start3A_17 : memref<1x1280x16xf32, #tpu.memory_space<hbm>> -> memref<1280x16xf32, #tpu.memory_space<hbm>>
      %dma_start3A_19 = arith.constant 0 : i32
      %dma_start3A_20 = tpu.memref_slice %arg8[%mul3A_14, %dma_start3A_19] : memref<20480x16xf32, #tpu.memory_space<vmem_shared>> -> memref<1280x16xf32, #tpu.memory_space<vmem_shared>>
      tpu.enqueue_dma source(%dma_start3A_20 : memref<1280x16xf32, #tpu.memory_space<vmem_shared>>) target(%dma_start3A_18 : memref<1280x16xf32, #tpu.memory_space<hbm>>) target_semaphore(%run_scoped3A : memref<!tpu.dma_semaphore, #tpu.memory_space<semaphore_mem>>)
      %dma_wait3A = arith.constant 0 : i32
      %dma_wait3A_21 = tpu.memref_slice %arg5[%arg0, %mul3A_16, %dma_wait3A] : memref<2x20480x16xf32, #tpu.memory_space<hbm>> -> memref<1x1280x16xf32, #tpu.memory_space<hbm>>
      %dma_wait3A_22 = tpu.memref_squeeze %dma_wait3A_21 : memref<1x1280x16xf32, #tpu.memory_space<hbm>> -> memref<1280x16xf32, #tpu.memory_space<hbm>>
      %dma_wait3A_23 = arith.constant 0 : i32
      %dma_wait3A_24 = tpu.memref_slice %arg8[%mul3A_14, %dma_wait3A_23] : memref<20480x16xf32, #tpu.memory_space<vmem_shared>> -> memref<1280x16xf32, #tpu.memory_space<vmem_shared>>
      tpu.wait_dma2 semaphore(%run_scoped3A : memref<!tpu.dma_semaphore, #tpu.memory_space<semaphore_mem>>) src(%dma_wait3A_24 : memref<1280x16xf32, #tpu.memory_space<vmem_shared>>) dst(%dma_wait3A_22 : memref<1280x16xf32, #tpu.memory_space<hbm>>)
      tpu.yield
    }) : () -> ()
    return
  }
}

#map = affine_map<(d0, d1) -> (0, 0)>
#map1 = affine_map<(d0, d1) -> (0, 0, 0)>
module attributes {stable_mosaic.version = 14 : i64} {
  func.func @_agg_body(%arg0: i32, %arg1: i32, %arg2: memref<10000x128xf32, #tpu.memory_space<hbm>>, %arg3: memref<5120x64xi32, #tpu.memory_space<hbm>>, %arg4: memref<5120x64xi32, #tpu.memory_space<hbm>>, %arg5: memref<10128x128xf32, #tpu.memory_space<hbm>>, %arg6: memref<2x10128x128xf32, #tpu.memory_space<hbm>>, %arg7: memref<80x64xi32, #tpu.memory_space<vmem>>, %arg8: memref<80x64xi32, #tpu.memory_space<vmem>>, %arg9: memref<64x128xf32, #tpu.memory_space<vmem>>, %arg10: memref<64x128xf32, #tpu.memory_space<vmem>>, %arg11: memref<64x128xf32, #tpu.memory_space<vmem>>, %arg12: memref<64x128xf32, #tpu.memory_space<vmem>>, %arg13: memref<!tpu.dma_semaphore, #tpu.memory_space<semaphore_mem>>, %arg14: memref<!tpu.dma_semaphore, #tpu.memory_space<semaphore_mem>>, %arg15: memref<!tpu.dma_semaphore, #tpu.memory_space<semaphore_mem>>, %arg16: memref<!tpu.dma_semaphore, #tpu.memory_space<semaphore_mem>>, %arg17: memref<10128x128xf32, #tpu.memory_space<vmem_shared>>) attributes {dimension_semantics = [#tpu.dimension_semantics<core_parallel>, #tpu.dimension_semantics<subcore_parallel>], iteration_bounds = array<i64: 2, 16>, scalar_prefetch = 0 : i64, scratch_operands = 11 : i64, tpu.core_type = #tpu.core_type<sc_vector_subcore>, window_params = [{transform_indices = #map}, {transform_indices = #map}, {transform_indices = #map}, {transform_indices = #map}, {transform_indices = #map1}]} {
    %mul3A = arith.constant 2 : i32
    %mul3A_0 = arith.muli %arg1, %mul3A : i32
    %add3A = arith.addi %mul3A_0, %arg0 : i32
    %mul3A_1 = arith.constant 633 : i32
    %mul3A_2 = arith.muli %arg1, %mul3A_1 : i32
    %mul3A_3 = arith.constant 633 : i32
    %mul3A_4 = arith.muli %arg1, %mul3A_3 : i32
    "tpu.region"() ({
      %run_scoped3A = tpu.sem_alloc : memref<!tpu.dma_semaphore, #tpu.memory_space<semaphore_mem>>
      %dma_start3A = arith.constant 0 : i32
      %dma_start3A_15 = tpu.memref_slice %arg17[%mul3A_4, %dma_start3A] : memref<10128x128xf32, #tpu.memory_space<vmem_shared>> -> memref<633x128xf32, #tpu.memory_space<vmem_shared>>
      %dma_start3A_16 = arith.constant 0 : i32
      %dma_start3A_17 = tpu.memref_slice %arg5[%mul3A_2, %dma_start3A_16] : memref<10128x128xf32, #tpu.memory_space<hbm>> -> memref<633x128xf32, #tpu.memory_space<hbm>>
      tpu.enqueue_dma source(%dma_start3A_17 : memref<633x128xf32, #tpu.memory_space<hbm>>) target(%dma_start3A_15 : memref<633x128xf32, #tpu.memory_space<vmem_shared>>) target_semaphore(%run_scoped3A : memref<!tpu.dma_semaphore, #tpu.memory_space<semaphore_mem>>)
      %dma_wait3A = arith.constant 0 : i32
      %dma_wait3A_18 = tpu.memref_slice %arg17[%mul3A_4, %dma_wait3A] : memref<10128x128xf32, #tpu.memory_space<vmem_shared>> -> memref<633x128xf32, #tpu.memory_space<vmem_shared>>
      %dma_wait3A_19 = arith.constant 0 : i32
      %dma_wait3A_20 = tpu.memref_slice %arg5[%mul3A_2, %dma_wait3A_19] : memref<10128x128xf32, #tpu.memory_space<hbm>> -> memref<633x128xf32, #tpu.memory_space<hbm>>
      tpu.wait_dma2 semaphore(%run_scoped3A : memref<!tpu.dma_semaphore, #tpu.memory_space<semaphore_mem>>) src(%dma_wait3A_20 : memref<633x128xf32, #tpu.memory_space<hbm>>) dst(%dma_wait3A_18 : memref<633x128xf32, #tpu.memory_space<vmem_shared>>)
      tpu.yield
    }) : () -> ()
    %barrier3A = arith.constant 0 : index
    tpu.barrier barrier_id(%barrier3A)
    %scan3A = arith.constant 0 : i32
    %scan3A_5 = arith.constant 0 : i32
    %scan3A_6 = arith.constant 2 : i32
    %scan3A_7 = arith.addi %scan3A_5, %scan3A_6 : i32
    %scan3A_8 = arith.constant 1 : i32
    scf.for %scan3A_15 = %scan3A_5 to %scan3A_7 step %scan3A_8  : i32 {
      %mul3A_16 = arith.constant 160 : i32
      %mul3A_17 = arith.muli %add3A, %mul3A_16 : i32
      %mul3A_18 = arith.constant 80 : i32
      %mul3A_19 = arith.muli %scan3A_15, %mul3A_18 : i32
      %add3A_20 = arith.addi %mul3A_17, %mul3A_19 : i32
      "tpu.region"() ({
        %run_scoped3A = tpu.sem_alloc : memref<!tpu.dma_semaphore, #tpu.memory_space<semaphore_mem>>
        %dma_start3A_47 = arith.constant 0 : i32
        %dma_start3A_48 = tpu.memref_slice %arg3[%add3A_20, %dma_start3A_47] : memref<5120x64xi32, #tpu.memory_space<hbm>> -> memref<80x64xi32, #tpu.memory_space<hbm>>
        %dma_start3A_49 = arith.constant 0 : i32
        %dma_start3A_50 = tpu.memref_slice %arg3[%add3A_20, %dma_start3A_49] : memref<5120x64xi32, #tpu.memory_space<hbm>> -> memref<80x64xi32, #tpu.memory_space<hbm>>
        tpu.enqueue_dma source(%dma_start3A_50 : memref<80x64xi32, #tpu.memory_space<hbm>>) target(%arg7 : memref<80x64xi32, #tpu.memory_space<vmem>>) target_semaphore(%run_scoped3A : memref<!tpu.dma_semaphore, #tpu.memory_space<semaphore_mem>>)
        %dma_wait3A = arith.constant 0 : i32
        %dma_wait3A_51 = tpu.memref_slice %arg3[%add3A_20, %dma_wait3A] : memref<5120x64xi32, #tpu.memory_space<hbm>> -> memref<80x64xi32, #tpu.memory_space<hbm>>
        %dma_wait3A_52 = arith.constant 0 : i32
        %dma_wait3A_53 = tpu.memref_slice %arg3[%add3A_20, %dma_wait3A_52] : memref<5120x64xi32, #tpu.memory_space<hbm>> -> memref<80x64xi32, #tpu.memory_space<hbm>>
        tpu.wait_dma2 semaphore(%run_scoped3A : memref<!tpu.dma_semaphore, #tpu.memory_space<semaphore_mem>>) src(%dma_wait3A_53 : memref<80x64xi32, #tpu.memory_space<hbm>>) dst(%arg7 : memref<80x64xi32, #tpu.memory_space<vmem>>)
        tpu.yield
      }) : () -> ()
      "tpu.region"() ({
        %run_scoped3A = tpu.sem_alloc : memref<!tpu.dma_semaphore, #tpu.memory_space<semaphore_mem>>
        %dma_start3A_47 = arith.constant 0 : i32
        %dma_start3A_48 = tpu.memref_slice %arg4[%add3A_20, %dma_start3A_47] : memref<5120x64xi32, #tpu.memory_space<hbm>> -> memref<80x64xi32, #tpu.memory_space<hbm>>
        %dma_start3A_49 = arith.constant 0 : i32
        %dma_start3A_50 = tpu.memref_slice %arg4[%add3A_20, %dma_start3A_49] : memref<5120x64xi32, #tpu.memory_space<hbm>> -> memref<80x64xi32, #tpu.memory_space<hbm>>
        tpu.enqueue_dma source(%dma_start3A_50 : memref<80x64xi32, #tpu.memory_space<hbm>>) target(%arg8 : memref<80x64xi32, #tpu.memory_space<vmem>>) target_semaphore(%run_scoped3A : memref<!tpu.dma_semaphore, #tpu.memory_space<semaphore_mem>>)
        %dma_wait3A = arith.constant 0 : i32
        %dma_wait3A_51 = tpu.memref_slice %arg4[%add3A_20, %dma_wait3A] : memref<5120x64xi32, #tpu.memory_space<hbm>> -> memref<80x64xi32, #tpu.memory_space<hbm>>
        %dma_wait3A_52 = arith.constant 0 : i32
        %dma_wait3A_53 = tpu.memref_slice %arg4[%add3A_20, %dma_wait3A_52] : memref<5120x64xi32, #tpu.memory_space<hbm>> -> memref<80x64xi32, #tpu.memory_space<hbm>>
        tpu.wait_dma2 semaphore(%run_scoped3A : memref<!tpu.dma_semaphore, #tpu.memory_space<semaphore_mem>>) src(%dma_wait3A_53 : memref<80x64xi32, #tpu.memory_space<hbm>>) dst(%arg8 : memref<80x64xi32, #tpu.memory_space<vmem>>)
        tpu.yield
      }) : () -> ()
      %dma_start3A = arith.constant 0 : i32
      %dma_start3A_21 = arith.constant 0 : i32
      %dma_start3A_22 = tpu.memref_slice %arg7[%dma_start3A, %dma_start3A_21] : memref<80x64xi32, #tpu.memory_space<vmem>> -> memref<1x64xi32, #tpu.memory_space<vmem>>
      %dma_start3A_23 = tpu.memref_squeeze %dma_start3A_22 : memref<1x64xi32, #tpu.memory_space<vmem>> -> memref<64xi32, #tpu.memory_space<vmem>>
      %dma_start3A_24 = arith.constant 0 : i32
      %dma_start3A_25 = arith.constant 0 : i32
      %dma_start3A_26 = tpu.memref_slice %arg2[%dma_start3A_24, %dma_start3A_25] : memref<10000x128xf32, #tpu.memory_space<hbm>> -> memref<10000x128xf32, #tpu.memory_space<hbm>>
      tpu.enqueue_indirect_dma source(%dma_start3A_26 : memref<10000x128xf32, #tpu.memory_space<hbm>>) target(%arg9 : memref<64x128xf32, #tpu.memory_space<vmem>>) offsets(%dma_start3A_23 : memref<64xi32, #tpu.memory_space<vmem>>) semaphore(%arg13 : memref<!tpu.dma_semaphore, #tpu.memory_space<semaphore_mem>>)
      %dma_start3A_27 = arith.constant 1 : i32
      %dma_start3A_28 = arith.constant 0 : i32
      %dma_start3A_29 = tpu.memref_slice %arg7[%dma_start3A_27, %dma_start3A_28] : memref<80x64xi32, #tpu.memory_space<vmem>> -> memref<1x64xi32, #tpu.memory_space<vmem>>
      %dma_start3A_30 = tpu.memref_squeeze %dma_start3A_29 : memref<1x64xi32, #tpu.memory_space<vmem>> -> memref<64xi32, #tpu.memory_space<vmem>>
      %dma_start3A_31 = arith.constant 0 : i32
      %dma_start3A_32 = arith.constant 0 : i32
      %dma_start3A_33 = tpu.memref_slice %arg2[%dma_start3A_31, %dma_start3A_32] : memref<10000x128xf32, #tpu.memory_space<hbm>> -> memref<10000x128xf32, #tpu.memory_space<hbm>>
      tpu.enqueue_indirect_dma source(%dma_start3A_33 : memref<10000x128xf32, #tpu.memory_space<hbm>>) target(%arg10 : memref<64x128xf32, #tpu.memory_space<vmem>>) offsets(%dma_start3A_30 : memref<64xi32, #tpu.memory_space<vmem>>) semaphore(%arg14 : memref<!tpu.dma_semaphore, #tpu.memory_space<semaphore_mem>>)
      %dma_start3A_34 = arith.constant 2 : i32
      %dma_start3A_35 = arith.constant 0 : i32
      %dma_start3A_36 = tpu.memref_slice %arg7[%dma_start3A_34, %dma_start3A_35] : memref<80x64xi32, #tpu.memory_space<vmem>> -> memref<1x64xi32, #tpu.memory_space<vmem>>
      %dma_start3A_37 = tpu.memref_squeeze %dma_start3A_36 : memref<1x64xi32, #tpu.memory_space<vmem>> -> memref<64xi32, #tpu.memory_space<vmem>>
      %dma_start3A_38 = arith.constant 0 : i32
      %dma_start3A_39 = arith.constant 0 : i32
      %dma_start3A_40 = tpu.memref_slice %arg2[%dma_start3A_38, %dma_start3A_39] : memref<10000x128xf32, #tpu.memory_space<hbm>> -> memref<10000x128xf32, #tpu.memory_space<hbm>>
      tpu.enqueue_indirect_dma source(%dma_start3A_40 : memref<10000x128xf32, #tpu.memory_space<hbm>>) target(%arg11 : memref<64x128xf32, #tpu.memory_space<vmem>>) offsets(%dma_start3A_37 : memref<64xi32, #tpu.memory_space<vmem>>) semaphore(%arg15 : memref<!tpu.dma_semaphore, #tpu.memory_space<semaphore_mem>>)
      %scan3A_41 = arith.constant 0 : i32
      %scan3A_42 = arith.constant 0 : i32
      %scan3A_43 = arith.constant 20 : i32
      %scan3A_44 = arith.addi %scan3A_42, %scan3A_43 : i32
      %scan3A_45 = arith.constant 1 : i32
      scf.for %scan3A_47 = %scan3A_42 to %scan3A_44 step %scan3A_45  : i32 {
        %mul3A_48 = arith.constant 4 : i32
        %mul3A_49 = arith.muli %scan3A_47, %mul3A_48 : i32
        %add3A_50 = arith.constant 0 : i32
        %add3A_51 = arith.addi %mul3A_49, %add3A_50 : i32
        %dma_wait3A = arith.constant 0 : i32
        %dma_wait3A_52 = tpu.memref_slice %arg7[%add3A_51, %dma_wait3A] : memref<80x64xi32, #tpu.memory_space<vmem>> -> memref<1x64xi32, #tpu.memory_space<vmem>>
        %dma_wait3A_53 = tpu.memref_squeeze %dma_wait3A_52 : memref<1x64xi32, #tpu.memory_space<vmem>> -> memref<64xi32, #tpu.memory_space<vmem>>
        %dma_wait3A_54 = arith.constant 0 : i32
        %dma_wait3A_55 = arith.constant 0 : i32
        %dma_wait3A_56 = tpu.memref_slice %arg2[%dma_wait3A_54, %dma_wait3A_55] : memref<10000x128xf32, #tpu.memory_space<hbm>> -> memref<10000x128xf32, #tpu.memory_space<hbm>>
        tpu.wait_indirect_dma semaphore(%arg13 : memref<!tpu.dma_semaphore, #tpu.memory_space<semaphore_mem>>) src(%dma_wait3A_56 : memref<10000x128xf32, #tpu.memory_space<hbm>>) dst(%arg9 : memref<64x128xf32, #tpu.memory_space<vmem>>)
        %add3A_57 = arith.constant 4 : i32
        %add3A_58 = arith.addi %add3A_51, %add3A_57 : i32
        %sub3A = arith.constant 1 : i32
        %sub3A_59 = arith.subi %add3A_58, %sub3A : i32
        %lt3A = arith.constant 80 : i32
        %lt3A_60 = arith.cmpi slt, %sub3A_59, %lt3A : i32
        %convert_element_type3A = arith.extui %lt3A_60 : i1 to i32
        %cond3A = arith.constant 0 : i32
        %cond3A_61 = arith.cmpi ne, %convert_element_type3A, %cond3A : i32
        scf.if %cond3A_61 {
          %add3A_119 = arith.constant 4 : i32
          %add3A_120 = arith.addi %add3A_51, %add3A_119 : i32
          %sub3A_121 = arith.constant 1 : i32
          %sub3A_122 = arith.subi %add3A_120, %sub3A_121 : i32
          %dma_start3A_123 = arith.constant 0 : i32
          %dma_start3A_124 = tpu.memref_slice %arg7[%sub3A_122, %dma_start3A_123] : memref<80x64xi32, #tpu.memory_space<vmem>> -> memref<1x64xi32, #tpu.memory_space<vmem>>
          %dma_start3A_125 = tpu.memref_squeeze %dma_start3A_124 : memref<1x64xi32, #tpu.memory_space<vmem>> -> memref<64xi32, #tpu.memory_space<vmem>>
          %dma_start3A_126 = arith.constant 0 : i32
          %dma_start3A_127 = arith.constant 0 : i32
          %dma_start3A_128 = tpu.memref_slice %arg2[%dma_start3A_126, %dma_start3A_127] : memref<10000x128xf32, #tpu.memory_space<hbm>> -> memref<10000x128xf32, #tpu.memory_space<hbm>>
          tpu.enqueue_indirect_dma source(%dma_start3A_128 : memref<10000x128xf32, #tpu.memory_space<hbm>>) target(%arg12 : memref<64x128xf32, #tpu.memory_space<vmem>>) offsets(%dma_start3A_125 : memref<64xi32, #tpu.memory_space<vmem>>) semaphore(%arg16 : memref<!tpu.dma_semaphore, #tpu.memory_space<semaphore_mem>>)
        } else {
        }
        "tpu.region"() ({
          %run_scoped3A = tpu.sem_alloc : memref<!tpu.dma_semaphore, #tpu.memory_space<semaphore_mem>>
          %dma_start3A_119 = arith.constant 0 : i32
          %dma_start3A_120 = tpu.memref_slice %arg8[%add3A_51, %dma_start3A_119] : memref<80x64xi32, #tpu.memory_space<vmem>> -> memref<1x64xi32, #tpu.memory_space<vmem>>
          %dma_start3A_121 = tpu.memref_squeeze %dma_start3A_120 : memref<1x64xi32, #tpu.memory_space<vmem>> -> memref<64xi32, #tpu.memory_space<vmem>>
          %dma_start3A_122 = arith.constant 0 : i32
          %dma_start3A_123 = arith.constant 0 : i32
          %dma_start3A_124 = tpu.memref_slice %arg17[%dma_start3A_122, %dma_start3A_123] : memref<10128x128xf32, #tpu.memory_space<vmem_shared>> -> memref<10128x128xf32, #tpu.memory_space<vmem_shared>>
          tpu.enqueue_indirect_dma source(%arg9 : memref<64x128xf32, #tpu.memory_space<vmem>>) target(%dma_start3A_124 : memref<10128x128xf32, #tpu.memory_space<vmem_shared>>) offsets(%dma_start3A_121 : memref<64xi32, #tpu.memory_space<vmem>>) semaphore(%run_scoped3A : memref<!tpu.dma_semaphore, #tpu.memory_space<semaphore_mem>>) {add = true}
          %dma_wait3A_125 = arith.constant 0 : i32
          %dma_wait3A_126 = tpu.memref_slice %arg8[%add3A_51, %dma_wait3A_125] : memref<80x64xi32, #tpu.memory_space<vmem>> -> memref<1x64xi32, #tpu.memory_space<vmem>>
          %dma_wait3A_127 = tpu.memref_squeeze %dma_wait3A_126 : memref<1x64xi32, #tpu.memory_space<vmem>> -> memref<64xi32, #tpu.memory_space<vmem>>
          %dma_wait3A_128 = arith.constant 0 : i32
          %dma_wait3A_129 = arith.constant 0 : i32
          %dma_wait3A_130 = tpu.memref_slice %arg17[%dma_wait3A_128, %dma_wait3A_129] : memref<10128x128xf32, #tpu.memory_space<vmem_shared>> -> memref<10128x128xf32, #tpu.memory_space<vmem_shared>>
          tpu.wait_indirect_dma semaphore(%run_scoped3A : memref<!tpu.dma_semaphore, #tpu.memory_space<semaphore_mem>>) src(%arg9 : memref<64x128xf32, #tpu.memory_space<vmem>>) dst(%dma_wait3A_130 : memref<10128x128xf32, #tpu.memory_space<vmem_shared>>)
          tpu.yield
        }) : () -> ()
        %mul3A_62 = arith.constant 4 : i32
        %mul3A_63 = arith.muli %scan3A_47, %mul3A_62 : i32
        %add3A_64 = arith.constant 1 : i32
        %add3A_65 = arith.addi %mul3A_63, %add3A_64 : i32
        %dma_wait3A_66 = arith.constant 0 : i32
        %dma_wait3A_67 = tpu.memref_slice %arg7[%add3A_65, %dma_wait3A_66] : memref<80x64xi32, #tpu.memory_space<vmem>> -> memref<1x64xi32, #tpu.memory_space<vmem>>
        %dma_wait3A_68 = tpu.memref_squeeze %dma_wait3A_67 : memref<1x64xi32, #tpu.memory_space<vmem>> -> memref<64xi32, #tpu.memory_space<vmem>>
        %dma_wait3A_69 = arith.constant 0 : i32
        %dma_wait3A_70 = arith.constant 0 : i32
        %dma_wait3A_71 = tpu.memref_slice %arg2[%dma_wait3A_69, %dma_wait3A_70] : memref<10000x128xf32, #tpu.memory_space<hbm>> -> memref<10000x128xf32, #tpu.memory_space<hbm>>
        tpu.wait_indirect_dma semaphore(%arg14 : memref<!tpu.dma_semaphore, #tpu.memory_space<semaphore_mem>>) src(%dma_wait3A_71 : memref<10000x128xf32, #tpu.memory_space<hbm>>) dst(%arg10 : memref<64x128xf32, #tpu.memory_space<vmem>>)
        %add3A_72 = arith.constant 4 : i32
        %add3A_73 = arith.addi %add3A_65, %add3A_72 : i32
        %sub3A_74 = arith.constant 1 : i32
        %sub3A_75 = arith.subi %add3A_73, %sub3A_74 : i32
        %lt3A_76 = arith.constant 80 : i32
        %lt3A_77 = arith.cmpi slt, %sub3A_75, %lt3A_76 : i32
        %convert_element_type3A_78 = arith.extui %lt3A_77 : i1 to i32
        %cond3A_79 = arith.constant 0 : i32
        %cond3A_80 = arith.cmpi ne, %convert_element_type3A_78, %cond3A_79 : i32
        scf.if %cond3A_80 {
          %add3A_119 = arith.constant 4 : i32
          %add3A_120 = arith.addi %add3A_65, %add3A_119 : i32
          %sub3A_121 = arith.constant 1 : i32
          %sub3A_122 = arith.subi %add3A_120, %sub3A_121 : i32
          %dma_start3A_123 = arith.constant 0 : i32
          %dma_start3A_124 = tpu.memref_slice %arg7[%sub3A_122, %dma_start3A_123] : memref<80x64xi32, #tpu.memory_space<vmem>> -> memref<1x64xi32, #tpu.memory_space<vmem>>
          %dma_start3A_125 = tpu.memref_squeeze %dma_start3A_124 : memref<1x64xi32, #tpu.memory_space<vmem>> -> memref<64xi32, #tpu.memory_space<vmem>>
          %dma_start3A_126 = arith.constant 0 : i32
          %dma_start3A_127 = arith.constant 0 : i32
          %dma_start3A_128 = tpu.memref_slice %arg2[%dma_start3A_126, %dma_start3A_127] : memref<10000x128xf32, #tpu.memory_space<hbm>> -> memref<10000x128xf32, #tpu.memory_space<hbm>>
          tpu.enqueue_indirect_dma source(%dma_start3A_128 : memref<10000x128xf32, #tpu.memory_space<hbm>>) target(%arg9 : memref<64x128xf32, #tpu.memory_space<vmem>>) offsets(%dma_start3A_125 : memref<64xi32, #tpu.memory_space<vmem>>) semaphore(%arg13 : memref<!tpu.dma_semaphore, #tpu.memory_space<semaphore_mem>>)
        } else {
        }
        "tpu.region"() ({
          %run_scoped3A = tpu.sem_alloc : memref<!tpu.dma_semaphore, #tpu.memory_space<semaphore_mem>>
          %dma_start3A_119 = arith.constant 0 : i32
          %dma_start3A_120 = tpu.memref_slice %arg8[%add3A_65, %dma_start3A_119] : memref<80x64xi32, #tpu.memory_space<vmem>> -> memref<1x64xi32, #tpu.memory_space<vmem>>
          %dma_start3A_121 = tpu.memref_squeeze %dma_start3A_120 : memref<1x64xi32, #tpu.memory_space<vmem>> -> memref<64xi32, #tpu.memory_space<vmem>>
          %dma_start3A_122 = arith.constant 0 : i32
          %dma_start3A_123 = arith.constant 0 : i32
          %dma_start3A_124 = tpu.memref_slice %arg17[%dma_start3A_122, %dma_start3A_123] : memref<10128x128xf32, #tpu.memory_space<vmem_shared>> -> memref<10128x128xf32, #tpu.memory_space<vmem_shared>>
          tpu.enqueue_indirect_dma source(%arg10 : memref<64x128xf32, #tpu.memory_space<vmem>>) target(%dma_start3A_124 : memref<10128x128xf32, #tpu.memory_space<vmem_shared>>) offsets(%dma_start3A_121 : memref<64xi32, #tpu.memory_space<vmem>>) semaphore(%run_scoped3A : memref<!tpu.dma_semaphore, #tpu.memory_space<semaphore_mem>>) {add = true}
          %dma_wait3A_125 = arith.constant 0 : i32
          %dma_wait3A_126 = tpu.memref_slice %arg8[%add3A_65, %dma_wait3A_125] : memref<80x64xi32, #tpu.memory_space<vmem>> -> memref<1x64xi32, #tpu.memory_space<vmem>>
          %dma_wait3A_127 = tpu.memref_squeeze %dma_wait3A_126 : memref<1x64xi32, #tpu.memory_space<vmem>> -> memref<64xi32, #tpu.memory_space<vmem>>
          %dma_wait3A_128 = arith.constant 0 : i32
          %dma_wait3A_129 = arith.constant 0 : i32
          %dma_wait3A_130 = tpu.memref_slice %arg17[%dma_wait3A_128, %dma_wait3A_129] : memref<10128x128xf32, #tpu.memory_space<vmem_shared>> -> memref<10128x128xf32, #tpu.memory_space<vmem_shared>>
          tpu.wait_indirect_dma semaphore(%run_scoped3A : memref<!tpu.dma_semaphore, #tpu.memory_space<semaphore_mem>>) src(%arg10 : memref<64x128xf32, #tpu.memory_space<vmem>>) dst(%dma_wait3A_130 : memref<10128x128xf32, #tpu.memory_space<vmem_shared>>)
          tpu.yield
        }) : () -> ()
        %mul3A_81 = arith.constant 4 : i32
        %mul3A_82 = arith.muli %scan3A_47, %mul3A_81 : i32
        %add3A_83 = arith.constant 2 : i32
        %add3A_84 = arith.addi %mul3A_82, %add3A_83 : i32
        %dma_wait3A_85 = arith.constant 0 : i32
        %dma_wait3A_86 = tpu.memref_slice %arg7[%add3A_84, %dma_wait3A_85] : memref<80x64xi32, #tpu.memory_space<vmem>> -> memref<1x64xi32, #tpu.memory_space<vmem>>
        %dma_wait3A_87 = tpu.memref_squeeze %dma_wait3A_86 : memref<1x64xi32, #tpu.memory_space<vmem>> -> memref<64xi32, #tpu.memory_space<vmem>>
        %dma_wait3A_88 = arith.constant 0 : i32
        %dma_wait3A_89 = arith.constant 0 : i32
        %dma_wait3A_90 = tpu.memref_slice %arg2[%dma_wait3A_88, %dma_wait3A_89] : memref<10000x128xf32, #tpu.memory_space<hbm>> -> memref<10000x128xf32, #tpu.memory_space<hbm>>
        tpu.wait_indirect_dma semaphore(%arg15 : memref<!tpu.dma_semaphore, #tpu.memory_space<semaphore_mem>>) src(%dma_wait3A_90 : memref<10000x128xf32, #tpu.memory_space<hbm>>) dst(%arg11 : memref<64x128xf32, #tpu.memory_space<vmem>>)
        %add3A_91 = arith.constant 4 : i32
        %add3A_92 = arith.addi %add3A_84, %add3A_91 : i32
        %sub3A_93 = arith.constant 1 : i32
        %sub3A_94 = arith.subi %add3A_92, %sub3A_93 : i32
        %lt3A_95 = arith.constant 80 : i32
        %lt3A_96 = arith.cmpi slt, %sub3A_94, %lt3A_95 : i32
        %convert_element_type3A_97 = arith.extui %lt3A_96 : i1 to i32
        %cond3A_98 = arith.constant 0 : i32
        %cond3A_99 = arith.cmpi ne, %convert_element_type3A_97, %cond3A_98 : i32
        scf.if %cond3A_99 {
          %add3A_119 = arith.constant 4 : i32
          %add3A_120 = arith.addi %add3A_84, %add3A_119 : i32
          %sub3A_121 = arith.constant 1 : i32
          %sub3A_122 = arith.subi %add3A_120, %sub3A_121 : i32
          %dma_start3A_123 = arith.constant 0 : i32
          %dma_start3A_124 = tpu.memref_slice %arg7[%sub3A_122, %dma_start3A_123] : memref<80x64xi32, #tpu.memory_space<vmem>> -> memref<1x64xi32, #tpu.memory_space<vmem>>
          %dma_start3A_125 = tpu.memref_squeeze %dma_start3A_124 : memref<1x64xi32, #tpu.memory_space<vmem>> -> memref<64xi32, #tpu.memory_space<vmem>>
          %dma_start3A_126 = arith.constant 0 : i32
          %dma_start3A_127 = arith.constant 0 : i32
          %dma_start3A_128 = tpu.memref_slice %arg2[%dma_start3A_126, %dma_start3A_127] : memref<10000x128xf32, #tpu.memory_space<hbm>> -> memref<10000x128xf32, #tpu.memory_space<hbm>>
          tpu.enqueue_indirect_dma source(%dma_start3A_128 : memref<10000x128xf32, #tpu.memory_space<hbm>>) target(%arg10 : memref<64x128xf32, #tpu.memory_space<vmem>>) offsets(%dma_start3A_125 : memref<64xi32, #tpu.memory_space<vmem>>) semaphore(%arg14 : memref<!tpu.dma_semaphore, #tpu.memory_space<semaphore_mem>>)
        } else {
        }
        "tpu.region"() ({
          %run_scoped3A = tpu.sem_alloc : memref<!tpu.dma_semaphore, #tpu.memory_space<semaphore_mem>>
          %dma_start3A_119 = arith.constant 0 : i32
          %dma_start3A_120 = tpu.memref_slice %arg8[%add3A_84, %dma_start3A_119] : memref<80x64xi32, #tpu.memory_space<vmem>> -> memref<1x64xi32, #tpu.memory_space<vmem>>
          %dma_start3A_121 = tpu.memref_squeeze %dma_start3A_120 : memref<1x64xi32, #tpu.memory_space<vmem>> -> memref<64xi32, #tpu.memory_space<vmem>>
          %dma_start3A_122 = arith.constant 0 : i32
          %dma_start3A_123 = arith.constant 0 : i32
          %dma_start3A_124 = tpu.memref_slice %arg17[%dma_start3A_122, %dma_start3A_123] : memref<10128x128xf32, #tpu.memory_space<vmem_shared>> -> memref<10128x128xf32, #tpu.memory_space<vmem_shared>>
          tpu.enqueue_indirect_dma source(%arg11 : memref<64x128xf32, #tpu.memory_space<vmem>>) target(%dma_start3A_124 : memref<10128x128xf32, #tpu.memory_space<vmem_shared>>) offsets(%dma_start3A_121 : memref<64xi32, #tpu.memory_space<vmem>>) semaphore(%run_scoped3A : memref<!tpu.dma_semaphore, #tpu.memory_space<semaphore_mem>>) {add = true}
          %dma_wait3A_125 = arith.constant 0 : i32
          %dma_wait3A_126 = tpu.memref_slice %arg8[%add3A_84, %dma_wait3A_125] : memref<80x64xi32, #tpu.memory_space<vmem>> -> memref<1x64xi32, #tpu.memory_space<vmem>>
          %dma_wait3A_127 = tpu.memref_squeeze %dma_wait3A_126 : memref<1x64xi32, #tpu.memory_space<vmem>> -> memref<64xi32, #tpu.memory_space<vmem>>
          %dma_wait3A_128 = arith.constant 0 : i32
          %dma_wait3A_129 = arith.constant 0 : i32
          %dma_wait3A_130 = tpu.memref_slice %arg17[%dma_wait3A_128, %dma_wait3A_129] : memref<10128x128xf32, #tpu.memory_space<vmem_shared>> -> memref<10128x128xf32, #tpu.memory_space<vmem_shared>>
          tpu.wait_indirect_dma semaphore(%run_scoped3A : memref<!tpu.dma_semaphore, #tpu.memory_space<semaphore_mem>>) src(%arg11 : memref<64x128xf32, #tpu.memory_space<vmem>>) dst(%dma_wait3A_130 : memref<10128x128xf32, #tpu.memory_space<vmem_shared>>)
          tpu.yield
        }) : () -> ()
        %mul3A_100 = arith.constant 4 : i32
        %mul3A_101 = arith.muli %scan3A_47, %mul3A_100 : i32
        %add3A_102 = arith.constant 3 : i32
        %add3A_103 = arith.addi %mul3A_101, %add3A_102 : i32
        %dma_wait3A_104 = arith.constant 0 : i32
        %dma_wait3A_105 = tpu.memref_slice %arg7[%add3A_103, %dma_wait3A_104] : memref<80x64xi32, #tpu.memory_space<vmem>> -> memref<1x64xi32, #tpu.memory_space<vmem>>
        %dma_wait3A_106 = tpu.memref_squeeze %dma_wait3A_105 : memref<1x64xi32, #tpu.memory_space<vmem>> -> memref<64xi32, #tpu.memory_space<vmem>>
        %dma_wait3A_107 = arith.constant 0 : i32
        %dma_wait3A_108 = arith.constant 0 : i32
        %dma_wait3A_109 = tpu.memref_slice %arg2[%dma_wait3A_107, %dma_wait3A_108] : memref<10000x128xf32, #tpu.memory_space<hbm>> -> memref<10000x128xf32, #tpu.memory_space<hbm>>
        tpu.wait_indirect_dma semaphore(%arg16 : memref<!tpu.dma_semaphore, #tpu.memory_space<semaphore_mem>>) src(%dma_wait3A_109 : memref<10000x128xf32, #tpu.memory_space<hbm>>) dst(%arg12 : memref<64x128xf32, #tpu.memory_space<vmem>>)
        %add3A_110 = arith.constant 4 : i32
        %add3A_111 = arith.addi %add3A_103, %add3A_110 : i32
        %sub3A_112 = arith.constant 1 : i32
        %sub3A_113 = arith.subi %add3A_111, %sub3A_112 : i32
        %lt3A_114 = arith.constant 80 : i32
        %lt3A_115 = arith.cmpi slt, %sub3A_113, %lt3A_114 : i32
        %convert_element_type3A_116 = arith.extui %lt3A_115 : i1 to i32
        %cond3A_117 = arith.constant 0 : i32
        %cond3A_118 = arith.cmpi ne, %convert_element_type3A_116, %cond3A_117 : i32
        scf.if %cond3A_118 {
          %add3A_119 = arith.constant 4 : i32
          %add3A_120 = arith.addi %add3A_103, %add3A_119 : i32
          %sub3A_121 = arith.constant 1 : i32
          %sub3A_122 = arith.subi %add3A_120, %sub3A_121 : i32
          %dma_start3A_123 = arith.constant 0 : i32
          %dma_start3A_124 = tpu.memref_slice %arg7[%sub3A_122, %dma_start3A_123] : memref<80x64xi32, #tpu.memory_space<vmem>> -> memref<1x64xi32, #tpu.memory_space<vmem>>
          %dma_start3A_125 = tpu.memref_squeeze %dma_start3A_124 : memref<1x64xi32, #tpu.memory_space<vmem>> -> memref<64xi32, #tpu.memory_space<vmem>>
          %dma_start3A_126 = arith.constant 0 : i32
          %dma_start3A_127 = arith.constant 0 : i32
          %dma_start3A_128 = tpu.memref_slice %arg2[%dma_start3A_126, %dma_start3A_127] : memref<10000x128xf32, #tpu.memory_space<hbm>> -> memref<10000x128xf32, #tpu.memory_space<hbm>>
          tpu.enqueue_indirect_dma source(%dma_start3A_128 : memref<10000x128xf32, #tpu.memory_space<hbm>>) target(%arg11 : memref<64x128xf32, #tpu.memory_space<vmem>>) offsets(%dma_start3A_125 : memref<64xi32, #tpu.memory_space<vmem>>) semaphore(%arg15 : memref<!tpu.dma_semaphore, #tpu.memory_space<semaphore_mem>>)
        } else {
        }
        "tpu.region"() ({
          %run_scoped3A = tpu.sem_alloc : memref<!tpu.dma_semaphore, #tpu.memory_space<semaphore_mem>>
          %dma_start3A_119 = arith.constant 0 : i32
          %dma_start3A_120 = tpu.memref_slice %arg8[%add3A_103, %dma_start3A_119] : memref<80x64xi32, #tpu.memory_space<vmem>> -> memref<1x64xi32, #tpu.memory_space<vmem>>
          %dma_start3A_121 = tpu.memref_squeeze %dma_start3A_120 : memref<1x64xi32, #tpu.memory_space<vmem>> -> memref<64xi32, #tpu.memory_space<vmem>>
          %dma_start3A_122 = arith.constant 0 : i32
          %dma_start3A_123 = arith.constant 0 : i32
          %dma_start3A_124 = tpu.memref_slice %arg17[%dma_start3A_122, %dma_start3A_123] : memref<10128x128xf32, #tpu.memory_space<vmem_shared>> -> memref<10128x128xf32, #tpu.memory_space<vmem_shared>>
          tpu.enqueue_indirect_dma source(%arg12 : memref<64x128xf32, #tpu.memory_space<vmem>>) target(%dma_start3A_124 : memref<10128x128xf32, #tpu.memory_space<vmem_shared>>) offsets(%dma_start3A_121 : memref<64xi32, #tpu.memory_space<vmem>>) semaphore(%run_scoped3A : memref<!tpu.dma_semaphore, #tpu.memory_space<semaphore_mem>>) {add = true}
          %dma_wait3A_125 = arith.constant 0 : i32
          %dma_wait3A_126 = tpu.memref_slice %arg8[%add3A_103, %dma_wait3A_125] : memref<80x64xi32, #tpu.memory_space<vmem>> -> memref<1x64xi32, #tpu.memory_space<vmem>>
          %dma_wait3A_127 = tpu.memref_squeeze %dma_wait3A_126 : memref<1x64xi32, #tpu.memory_space<vmem>> -> memref<64xi32, #tpu.memory_space<vmem>>
          %dma_wait3A_128 = arith.constant 0 : i32
          %dma_wait3A_129 = arith.constant 0 : i32
          %dma_wait3A_130 = tpu.memref_slice %arg17[%dma_wait3A_128, %dma_wait3A_129] : memref<10128x128xf32, #tpu.memory_space<vmem_shared>> -> memref<10128x128xf32, #tpu.memory_space<vmem_shared>>
          tpu.wait_indirect_dma semaphore(%run_scoped3A : memref<!tpu.dma_semaphore, #tpu.memory_space<semaphore_mem>>) src(%arg12 : memref<64x128xf32, #tpu.memory_space<vmem>>) dst(%dma_wait3A_130 : memref<10128x128xf32, #tpu.memory_space<vmem_shared>>)
          tpu.yield
        }) : () -> ()
      }
      %scan3A_46 = arith.constant 20 : i32
    }
    %scan3A_9 = arith.constant 2 : i32
    %barrier3A_10 = arith.constant 0 : index
    tpu.barrier barrier_id(%barrier3A_10)
    %mul3A_11 = arith.constant 633 : i32
    %mul3A_12 = arith.muli %arg1, %mul3A_11 : i32
    %mul3A_13 = arith.constant 633 : i32
    %mul3A_14 = arith.muli %arg1, %mul3A_13 : i32
    "tpu.region"() ({
      %run_scoped3A = tpu.sem_alloc : memref<!tpu.dma_semaphore, #tpu.memory_space<semaphore_mem>>
      %dma_start3A = arith.constant 0 : i32
      %dma_start3A_15 = tpu.memref_slice %arg6[%arg0, %mul3A_14, %dma_start3A] : memref<2x10128x128xf32, #tpu.memory_space<hbm>> -> memref<1x633x128xf32, #tpu.memory_space<hbm>>
      %dma_start3A_16 = tpu.memref_squeeze %dma_start3A_15 : memref<1x633x128xf32, #tpu.memory_space<hbm>> -> memref<633x128xf32, #tpu.memory_space<hbm>>
      %dma_start3A_17 = arith.constant 0 : i32
      %dma_start3A_18 = tpu.memref_slice %arg17[%mul3A_12, %dma_start3A_17] : memref<10128x128xf32, #tpu.memory_space<vmem_shared>> -> memref<633x128xf32, #tpu.memory_space<vmem_shared>>
      tpu.enqueue_dma source(%dma_start3A_18 : memref<633x128xf32, #tpu.memory_space<vmem_shared>>) target(%dma_start3A_16 : memref<633x128xf32, #tpu.memory_space<hbm>>) target_semaphore(%run_scoped3A : memref<!tpu.dma_semaphore, #tpu.memory_space<semaphore_mem>>)
      %dma_wait3A = arith.constant 0 : i32
      %dma_wait3A_19 = tpu.memref_slice %arg6[%arg0, %mul3A_14, %dma_wait3A] : memref<2x10128x128xf32, #tpu.memory_space<hbm>> -> memref<1x633x128xf32, #tpu.memory_space<hbm>>
      %dma_wait3A_20 = tpu.memref_squeeze %dma_wait3A_19 : memref<1x633x128xf32, #tpu.memory_space<hbm>> -> memref<633x128xf32, #tpu.memory_space<hbm>>
      %dma_wait3A_21 = arith.constant 0 : i32
      %dma_wait3A_22 = tpu.memref_slice %arg17[%mul3A_12, %dma_wait3A_21] : memref<10128x128xf32, #tpu.memory_space<vmem_shared>> -> memref<633x128xf32, #tpu.memory_space<vmem_shared>>
      tpu.wait_dma2 semaphore(%run_scoped3A : memref<!tpu.dma_semaphore, #tpu.memory_space<semaphore_mem>>) src(%dma_wait3A_22 : memref<633x128xf32, #tpu.memory_space<vmem_shared>>) dst(%dma_wait3A_20 : memref<633x128xf32, #tpu.memory_space<hbm>>)
      tpu.yield
    }) : () -> ()
    return
  }
}

module attributes {stable_mosaic.version = 14 : i64} {
  func.func @_norm_scale_body(%arg0: i32, %arg1: memref<1x2000x16xf32, #tpu.memory_space<vmem>>, %arg2: memref<1x2000x16xf32, #tpu.memory_space<vmem>>, %arg3: memref<1x2000x16xf32, #tpu.memory_space<vmem>>, %arg4: memref<1x2000x16xf32, #tpu.memory_space<vmem>>, %arg5: memref<2000x128xf32, #tpu.memory_space<vmem>>, %arg6: memref<2000x128xf32, #tpu.memory_space<vmem>>, %arg7: memref<2000x1xf32, #tpu.memory_space<vmem>>) attributes {dimension_semantics = [#tpu.dimension_semantics<arbitrary>], iteration_bounds = array<i64: 5>, scalar_prefetch = 0 : i64, scratch_operands = 0 : i64, tpu.core_type = #tpu.core_type<tc>, window_params = [{transform_indices = @transform_0, window_bounds = array<i64: 1, 2000, 16>}, {transform_indices = @transform_1, window_bounds = array<i64: 1, 2000, 16>}, {transform_indices = @transform_2, window_bounds = array<i64: 1, 2000, 16>}, {transform_indices = @transform_3, window_bounds = array<i64: 1, 2000, 16>}, {transform_indices = @transform_4, window_bounds = array<i64: 2000, 128>}, {transform_indices = @transform_5, window_bounds = array<i64: 2000, 128>}, {transform_indices = @transform_6, window_bounds = array<i64: 2000, 1>}]} {
    %get3A = arith.constant 0 : index
    %get3A_0 = arith.constant 0 : index
    %get3A_1 = arith.constant 0 : index
    %get3A_2 = vector.load %arg1[%get3A, %get3A_0, %get3A_1] : memref<1x2000x16xf32, #tpu.memory_space<vmem>>, vector<1x2000x1xf32>
    %get3A_3 = vector.shape_cast %get3A_2 : vector<1x2000x1xf32> to vector<2000xf32>
    %get3A_4 = arith.constant 0 : index
    %get3A_5 = arith.constant 0 : index
    %get3A_6 = arith.constant 0 : index
    %get3A_7 = vector.load %arg2[%get3A_4, %get3A_5, %get3A_6] : memref<1x2000x16xf32, #tpu.memory_space<vmem>>, vector<1x2000x1xf32>
    %get3A_8 = vector.shape_cast %get3A_7 : vector<1x2000x1xf32> to vector<2000xf32>
    %add3A = arith.addf %get3A_3, %get3A_8 : vector<2000xf32>
    %get3A_9 = arith.constant 0 : index
    %get3A_10 = arith.constant 0 : index
    %get3A_11 = arith.constant 0 : index
    %get3A_12 = vector.load %arg3[%get3A_9, %get3A_10, %get3A_11] : memref<1x2000x16xf32, #tpu.memory_space<vmem>>, vector<1x2000x1xf32>
    %get3A_13 = vector.shape_cast %get3A_12 : vector<1x2000x1xf32> to vector<2000xf32>
    %get3A_14 = arith.constant 0 : index
    %get3A_15 = arith.constant 0 : index
    %get3A_16 = arith.constant 0 : index
    %get3A_17 = vector.load %arg4[%get3A_14, %get3A_15, %get3A_16] : memref<1x2000x16xf32, #tpu.memory_space<vmem>>, vector<1x2000x1xf32>
    %get3A_18 = vector.shape_cast %get3A_17 : vector<1x2000x1xf32> to vector<2000xf32>
    %add3A_19 = arith.addf %get3A_13, %get3A_18 : vector<2000xf32>
    %max3A = arith.constant 1.000000e+00 : f32
    %max3A_20 = vector.broadcast %max3A : f32 to vector<2000xf32>
    %max3A_21 = arith.maximumf %add3A, %max3A_20 : vector<2000xf32>
    %rsqrt3A = math.rsqrt %max3A_21 : vector<2000xf32>
    %max3A_22 = arith.constant 1.000000e+00 : f32
    %max3A_23 = vector.broadcast %max3A_22 : f32 to vector<2000xf32>
    %max3A_24 = arith.maximumf %add3A_19, %max3A_23 : vector<2000xf32>
    %rsqrt3A_25 = math.rsqrt %max3A_24 : vector<2000xf32>
    %get3A_26 = arith.constant 0 : index
    %get3A_27 = arith.constant 0 : index
    %get3A_28 = vector.load %arg5[%get3A_26, %get3A_27] : memref<2000x128xf32, #tpu.memory_space<vmem>>, vector<2000x128xf32>
    %broadcast_in_dim3A = vector.shape_cast %rsqrt3A : vector<2000xf32> to vector<2000x1xf32>
    %mul3A = vector.broadcast %broadcast_in_dim3A : vector<2000x1xf32> to vector<2000x128xf32>
    %mul3A_29 = arith.mulf %get3A_28, %mul3A : vector<2000x128xf32>
    %swap3A = arith.constant 0 : index
    %swap3A_30 = arith.constant 0 : index
    %swap3A_31 = vector.load %arg6[%swap3A, %swap3A_30] : memref<2000x128xf32, #tpu.memory_space<vmem>>, vector<2000x128xf32>
    tpu.vector_store %arg6[%swap3A, %swap3A_30], %mul3A_29 {strides = array<i32>} : memref<2000x128xf32, #tpu.memory_space<vmem>>, vector<2000x128xf32>,
    %broadcast_in_dim3A_32 = vector.shape_cast %rsqrt3A_25 : vector<2000xf32> to vector<2000x1xf32>
    %swap3A_33 = arith.constant 0 : index
    %swap3A_34 = arith.constant 0 : index
    %swap3A_35 = vector.load %arg7[%swap3A_33, %swap3A_34] : memref<2000x1xf32, #tpu.memory_space<vmem>>, vector<2000x1xf32>
    tpu.vector_store %arg7[%swap3A_33, %swap3A_34], %broadcast_in_dim3A_32 {strides = array<i32>} : memref<2000x1xf32, #tpu.memory_space<vmem>>, vector<2000x1xf32>,
    return
  }
  func.func @transform_0(%arg0: i32) -> (i32, i32, i32) {
    %c0_i32 = arith.constant 0 : i32
    %c0_i32_0 = arith.constant 0 : i32
    %c0_i32_1 = arith.constant 0 : i32
    return %c0_i32, %arg0, %c0_i32_0 : i32, i32, i32
  }
  func.func @transform_1(%arg0: i32) -> (i32, i32, i32) {
    %c1_i32 = arith.constant 1 : i32
    %c0_i32 = arith.constant 0 : i32
    %c0_i32_0 = arith.constant 0 : i32
    return %c1_i32, %arg0, %c0_i32 : i32, i32, i32
  }
  func.func @transform_2(%arg0: i32) -> (i32, i32, i32) {
    %add3A = arith.constant 5 : i32
    %add3A_0 = arith.addi %arg0, %add3A : i32
    %c0_i32 = arith.constant 0 : i32
    %c0_i32_1 = arith.constant 0 : i32
    %c0_i32_2 = arith.constant 0 : i32
    return %c0_i32, %add3A_0, %c0_i32_1 : i32, i32, i32
  }
  func.func @transform_3(%arg0: i32) -> (i32, i32, i32) {
    %add3A = arith.constant 5 : i32
    %add3A_0 = arith.addi %arg0, %add3A : i32
    %c1_i32 = arith.constant 1 : i32
    %c0_i32 = arith.constant 0 : i32
    %c0_i32_1 = arith.constant 0 : i32
    return %c1_i32, %add3A_0, %c0_i32 : i32, i32, i32
  }
  func.func @transform_4(%arg0: i32) -> (i32, i32) {
    %c0_i32 = arith.constant 0 : i32
    %c0_i32_0 = arith.constant 0 : i32
    return %arg0, %c0_i32 : i32, i32
  }
  func.func @transform_5(%arg0: i32) -> (i32, i32) {
    %c0_i32 = arith.constant 0 : i32
    %c0_i32_0 = arith.constant 0 : i32
    return %arg0, %c0_i32 : i32, i32
  }
  func.func @transform_6(%arg0: i32) -> (i32, i32) {
    %c0_i32 = arith.constant 0 : i32
    %c0_i32_0 = arith.constant 0 : i32
    return %arg0, %c0_i32 : i32, i32
  }
}

module attributes {stable_mosaic.version = 14 : i64} {
  func.func @_out_body(%arg0: i32, %arg1: memref<1x2000x128xf32, #tpu.memory_space<vmem>>, %arg2: memref<1x2000x128xf32, #tpu.memory_space<vmem>>, %arg3: memref<2000x1xf32, #tpu.memory_space<vmem>>, %arg4: memref<128x128xf32, #tpu.memory_space<vmem>>, %arg5: memref<1x128xf32, #tpu.memory_space<vmem>>, %arg6: memref<2000x128xf32, #tpu.memory_space<vmem>>) attributes {dimension_semantics = [#tpu.dimension_semantics<arbitrary>], iteration_bounds = array<i64: 5>, scalar_prefetch = 0 : i64, scratch_operands = 0 : i64, tpu.core_type = #tpu.core_type<tc>, window_params = [{transform_indices = @transform_0, window_bounds = array<i64: 1, 2000, 128>}, {transform_indices = @transform_1, window_bounds = array<i64: 1, 2000, 128>}, {transform_indices = @transform_2, window_bounds = array<i64: 2000, 1>}, {pipeline_mode = #tpu.pipeline_mode<synchronous>, transform_indices = @transform_3, window_bounds = array<i64: 128, 128>}, {pipeline_mode = #tpu.pipeline_mode<synchronous>, transform_indices = @transform_4, window_bounds = array<i64: 1, 128>}, {transform_indices = @transform_5, window_bounds = array<i64: 2000, 128>}]} {
    %get3A = arith.constant 0 : index
    %get3A_0 = arith.constant 0 : index
    %get3A_1 = arith.constant 0 : index
    %get3A_2 = vector.load %arg1[%get3A, %get3A_0, %get3A_1] : memref<1x2000x128xf32, #tpu.memory_space<vmem>>, vector<1x2000x128xf32>
    %get3A_3 = vector.shape_cast %get3A_2 : vector<1x2000x128xf32> to vector<2000x128xf32>
    %get3A_4 = arith.constant 0 : index
    %get3A_5 = arith.constant 0 : index
    %get3A_6 = arith.constant 0 : index
    %get3A_7 = vector.load %arg2[%get3A_4, %get3A_5, %get3A_6] : memref<1x2000x128xf32, #tpu.memory_space<vmem>>, vector<1x2000x128xf32>
    %get3A_8 = vector.shape_cast %get3A_7 : vector<1x2000x128xf32> to vector<2000x128xf32>
    %add3A = arith.addf %get3A_3, %get3A_8 : vector<2000x128xf32>
    %get3A_9 = arith.constant 0 : index
    %get3A_10 = arith.constant 0 : index
    %get3A_11 = vector.load %arg3[%get3A_9, %get3A_10] : memref<2000x1xf32, #tpu.memory_space<vmem>>, vector<2000x1xf32>
    %mul3A = vector.broadcast %get3A_11 : vector<2000x1xf32> to vector<2000x128xf32>
    %mul3A_12 = arith.mulf %add3A, %mul3A : vector<2000x128xf32>
    %get3A_13 = arith.constant 0 : index
    %get3A_14 = arith.constant 0 : index
    %get3A_15 = vector.load %arg4[%get3A_13, %get3A_14] : memref<128x128xf32, #tpu.memory_space<vmem>>, vector<128x128xf32>
    %dot_general3A = arith.constant dense<0.000000e+00> : vector<2000x128xf32>
    %dot_general3A_16 = tpu.matmul %mul3A_12, %get3A_15, %dot_general3A {dimension_numbers = #tpu.dot_dimension_numbers<[1], [0], [0], [1], [0, 0, 1, 1], [], []>, transpose_lhs_hint = false} : vector<2000x128xf32>, vector<128x128xf32>, vector<2000x128xf32> -> vector<2000x128xf32>
    %get3A_17 = arith.constant 0 : index
    %get3A_18 = arith.constant 0 : index
    %get3A_19 = vector.load %arg5[%get3A_17, %get3A_18] : memref<1x128xf32, #tpu.memory_space<vmem>>, vector<1x128xf32>
    %add3A_20 = vector.broadcast %get3A_19 : vector<1x128xf32> to vector<2000x128xf32>
    %add3A_21 = arith.addf %dot_general3A_16, %add3A_20 : vector<2000x128xf32>
    %max3A = arith.constant 0.000000e+00 : f32
    %max3A_22 = vector.broadcast %max3A : f32 to vector<2000x128xf32>
    %max3A_23 = arith.maximumf %add3A_21, %max3A_22 : vector<2000x128xf32>
    %swap3A = arith.constant 0 : index
    %swap3A_24 = arith.constant 0 : index
    %swap3A_25 = vector.load %arg6[%swap3A, %swap3A_24] : memref<2000x128xf32, #tpu.memory_space<vmem>>, vector<2000x128xf32>
    tpu.vector_store %arg6[%swap3A, %swap3A_24], %max3A_23 {strides = array<i32>} : memref<2000x128xf32, #tpu.memory_space<vmem>>, vector<2000x128xf32>,
    return
  }
  func.func @transform_0(%arg0: i32) -> (i32, i32, i32) {
    %c0_i32 = arith.constant 0 : i32
    %c0_i32_0 = arith.constant 0 : i32
    %c0_i32_1 = arith.constant 0 : i32
    return %c0_i32, %arg0, %c0_i32_0 : i32, i32, i32
  }
  func.func @transform_1(%arg0: i32) -> (i32, i32, i32) {
    %c1_i32 = arith.constant 1 : i32
    %c0_i32 = arith.constant 0 : i32
    %c0_i32_0 = arith.constant 0 : i32
    return %c1_i32, %arg0, %c0_i32 : i32, i32, i32
  }
  func.func @transform_2(%arg0: i32) -> (i32, i32) {
    %c0_i32 = arith.constant 0 : i32
    %c0_i32_0 = arith.constant 0 : i32
    return %arg0, %c0_i32 : i32, i32
  }
  func.func @transform_3(%arg0: i32) -> (i32, i32) {
    %c0_i32 = arith.constant 0 : i32
    %c0_i32_0 = arith.constant 0 : i32
    %c0_i32_1 = arith.constant 0 : i32
    return %c0_i32, %c0_i32_0 : i32, i32
  }
  func.func @transform_4(%arg0: i32) -> (i32, i32) {
    %c0_i32 = arith.constant 0 : i32
    %c0_i32_0 = arith.constant 0 : i32
    %c0_i32_1 = arith.constant 0 : i32
    return %c0_i32, %c0_i32_0 : i32, i32
  }
  func.func @transform_5(%arg0: i32) -> (i32, i32) {
    %c0_i32 = arith.constant 0 : i32
    %c0_i32_0 = arith.constant 0 : i32
    return %arg0, %c0_i32 : i32, i32
  }
}

</mosaic_0001>

<sc_bundles>
// kernel: kernel.6.cloned.1.call-start
scs
__scs_entry_jumppad:
0x0: {  	(pc) =	sbr.rel $0x88, $3  }
0x1: {  	(tag) =	ssettag $0x0;
	lr =	simm.s32 $0x1  }
0x2: {  	[smem:$0x3F9D] =	sst lr;
	_ =	strace $0xD0000000  }
0x3: {  	_ = 	snop  }
0x4: {  	_ = 	snop  }
0x5: {  	_ = 	snop  }
0x6: {  	_ = 	snop  }
0x7: {  	_ = 	snop  }
__scs_overlays_trampoline_lowered:
0x8: {  	[smem:$0x3FAC] =	sst s0  }
0x9: {  	[smem:$0x3FAD] =	sst s1  }
0xa: {  	[smem:$0x3FAE] =	sst s2  }
0xb: {  	[smem:$0x3FAF] =	sst s3  }
0xc: {  	[smem:$0x3FB0] =	sst s4  }
0xd: {  	[smem:$0x3FB1] =	sst s5  }
0xe: {  	[smem:$0x3FB2] =	sst s6  }
0xf: {  	[smem:$0x3FB3] =	sst s7  }
0x10: {  	[smem:$0x3FB4] =	sst s8  }
0x11: {  	[smem:$0x3FB5] =	sst s9;
	s0 =	simm.s32 @!p0 $0x0  }
0x12: {  	s1 =	sld [smem:$0x3F9B];
	s0 =	simm.s32 @p0 $0x1  }
0x13: {  	[smem:$0x3FB6] =	sst s0;
	s0 =	simm.s32 @!p1 $0x0  }
0x14: {  	s2 =	sld [smem:$0x3F9A];
	s0 =	simm.s32 @p1 $0x1  }
0x15: {  	[smem:$0x3FB7] =	sst s0;
	s0 =	simm.s32 @!p2 $0x0  }
0x16: {  	s3 =	sld [smem:$0x3FDB];
	s0 =	simm.s32 @p2 $0x1  }
0x17: {  	s4 =	simm.s32 $0x1BF5;
	[smem:$0x3FB9] =	sst s0  }
0x18: {  	s0 =	sld [smem:$0x3F9C];
	_ =	swait.ge [sflag:s4], $0x0  }
0x19: {  	s7 =	sld [smem:$0x3F9D]  }
0x1a: {  	s8 =	sadd.s32 $0xFFFFE003, lr  }
0x1b: {  	s9 =	sadd.s32 $0xFFFFFEF7, lr;
	s5 =	simm.s32 $0xFFFFFFFF;
	p2 =	slt.u32 s8, $0xFFFFF086  }
0x1c: {  	p1 =	slt.u32 s9, $0xF7A;
	s5 =	simm.s32 @!p2 $0x0  }
0x1d: {  	s5 =	simm.s32 @p1 $0x1;
	p0 =	seq.s32 s7, s2  }
0x1e: {  	s7 =	smul.u32 @!p0 $0xF7A, s2;
	p2 =	seq.s32 @!p0 s5, $0x0  }
0x1f: {  	s9 =	smul.u32 $0xF7A, s1;
	s8 =	simm.s32 @!p0 $0x1BF5;
	p2 =	por !p2, p0  }
0x20: {  	[sflag:s8] =	ssyncset.s32 @!p0 $0xFFFFF086;
	s6 =	sadd.s32 @!p0 s3, s7;
	s7 =	simm.s32 @!p0 $0x108  }
0x21: {  	s3 =	sadd.s32 s3, s9;
	s6 =	sadd.s32 @!p0 $0x88, s6;
	s7 =	simm.s32 @p2 $0x1082  }
0x22: {  	[simem:s7], [sflag:s8] =	dma.local @!p0 [hbm:s6], $0xF7A  }
0x23: {  	s9 =	sor.u32 $0xD0000000, s2;
	s6 =	simm.s32 $0x108;
	_ =	swait.ge @!p0 [sflag:s8], $0x0  }
0x24: {  	s3 =	sadd.s32 $0x88, s3;
	s6 =	simm.s32 @!p1 $0x1082;
	[sflag:s4] =	ssyncset.s32 $0xFFFFF086  }
0x25: {  	[simem:s6], [sflag:s4] =	dma.local [hbm:s3], $0xF7A  }
0x26: {  	[smem:$0x3F9D] =	sst s1;
	(tag) =	ssettag s2;
	_ =	strace s9  }
0x27: {  	s1 =	sld [smem:$0x3FAD]  }
0x28: {  	s2 =	sld [smem:$0x3FAE]  }
0x29: {  	s4 =	sld [smem:$0x3FB0]  }
0x2a: {  	p0 =	seq.s32 s5, $0x0;
	s5 =	sld [smem:$0x3FB1]  }
0x2b: {  	s6 =	sld [smem:$0x3FB2]  }
0x2c: {  	s7 =	sld [smem:$0x3FB3]  }
0x2d: {  	s3 =	simm.s32 $0x108;
	s8 =	sld [smem:$0x3FB4]  }
0x2e: {  	s3 =	simm.s32 @!p0 $0x1082;
	s9 =	sld [smem:$0x3FB5]  }
0x2f: {  	lr =	sadd.s32 s0, s3;
	s0 =	sld [smem:$0x3FAC]  }
0x30: {  	s3 =	sld [smem:$0x3FAF]  }
0x31: {  	[smem:$0x3FB8] =	sst s10  }
0x32: {  	s10 =	sld [smem:$0x3FB6];
	_ =	sdelay $0x3  }
0x33: {  	p0 =	seq.s32 s10, $0x1;
	s10 =	sld [smem:$0x3FB8];
	_ =	sdelay $0x3  }
0x34: {  	[smem:$0x3FB8] =	sst s10  }
0x35: {  	s10 =	sld [smem:$0x3FB7];
	_ =	sdelay $0x3  }
0x36: {  	p1 =	seq.s32 s10, $0x1;
	s10 =	sld [smem:$0x3FB8];
	_ =	sdelay $0x3  }
0x37: {  	[smem:$0x3FB8] =	sst s10  }
0x38: {  	s10 =	sld [smem:$0x3FB9]  }
0x39: {  	_ = 	snop;
	(pc) =	sbr.ind lr, $3  }
0x3a: {  	_ = 	snop  }
0x3b: {  	_ = 	snop  }
0x3c: {  	p2 =	seq.s32 s10, $0x1;
	s10 =	sld [smem:$0x3FB8]  }
0x3d: {  	_ =	shalt  }
0x3e: {  	_ =	shalt  }
0x3f: {  	_ =	shalt  }
0x40: {  	_ =	shalt  }
0x41: {  	_ =	shalt  }
0x42: {  	_ =	shalt  }
0x43: {  	_ =	shalt  }
0x44: {  	_ =	shalt  }
0x45: {  	_ =	shalt  }
0x46: {  	_ =	shalt  }
0x47: {  	_ =	shalt  }
0x48: {  	_ =	shalt  }
0x49: {  	_ =	shalt  }
0x4a: {  	_ =	shalt  }
0x4b: {  	_ =	shalt  }
0x4c: {  	_ =	shalt  }
0x4d: {  	_ =	shalt  }
0x4e: {  	_ =	shalt  }
0x4f: {  	_ =	shalt  }
0x50: {  	_ =	shalt  }
0x51: {  	_ =	shalt  }
0x52: {  	_ =	shalt  }
0x53: {  	_ =	shalt  }
0x54: {  	_ =	shalt  }
0x55: {  	_ =	shalt  }
0x56: {  	_ =	shalt  }
0x57: {  	_ =	shalt  }
0x58: {  	_ =	shalt  }
0x59: {  	_ =	shalt  }
0x5a: {  	_ =	shalt  }
0x5b: {  	_ =	shalt  }
0x5c: {  	_ =	shalt  }
0x5d: {  	_ =	shalt  }
0x5e: {  	_ =	shalt  }
0x5f: {  	_ =	shalt  }
0x60: {  	_ =	shalt  }
0x61: {  	_ =	shalt  }
0x62: {  	_ =	shalt  }
0x63: {  	_ =	shalt  }
0x64: {  	_ =	shalt  }
0x65: {  	_ =	shalt  }
0x66: {  	_ =	shalt  }
0x67: {  	_ =	shalt  }
0x68: {  	_ =	shalt  }
0x69: {  	_ =	shalt  }
0x6a: {  	_ =	shalt  }
0x6b: {  	_ =	shalt  }
0x6c: {  	_ =	shalt  }
0x6d: {  	_ =	shalt  }
0x6e: {  	_ =	shalt  }
0x6f: {  	_ =	shalt  }
0x70: {  	_ =	shalt  }
0x71: {  	_ =	shalt  }
0x72: {  	_ =	shalt  }
0x73: {  	_ =	shalt  }
0x74: {  	_ =	shalt  }
0x75: {  	_ =	shalt  }
0x76: {  	_ =	shalt  }
0x77: {  	_ =	shalt  }
0x78: {  	_ =	shalt  }
0x79: {  	_ =	shalt  }
0x7a: {  	_ =	shalt  }
0x7b: {  	_ =	shalt  }
0x7c: {  	_ =	shalt  }
0x7d: {  	_ =	shalt  }
0x7e: {  	_ =	shalt  }
0x7f: {  	_ =	shalt  }
0x80: {  	_ =	shalt  }
0x81: {  	_ =	shalt  }
0x82: {  	_ =	shalt  }
0x83: {  	_ =	shalt  }
0x84: {  	_ =	shalt  }
0x85: {  	_ =	shalt  }
0x86: {  	_ =	shalt  }
0x87: {  	_ =	shalt  }
.Lfunc_end0:
.L_simem_size_0:
called_computation_lowered:
.L_overlay_start_0:
0x88: {  	s2 =	sld [smem:$0x3FD9]  }
0x89: {  	s3 =	sld [smem:$0x3FFE];
	_ =	sdelay $0x1  }
0x8a: {  	s1 =	srdreg.scid  }
0x8b: {  	s0 =	sand.u32 $0x1, s1  }
0x8c: {  	s17 =	sshll.u32 s0, $0xA;
	s2 =	sadd.s32 s3, s2  }
0x8d: {  	s2 =	sadd.s32 s2, s17  }
0x8e: {  	[smem:$0x3FC4] =	sst s2  }
0x8f: {  	_ = 	snop  }
0x90: {  	s2 =	sld [smem:$0x3FD0];
	(tm) =	ssettm $0x1  }
0x91: {  	s18 =	sld [smem:$0x3FFB];
	_ =	sdelay $0x3  }
0x92: {  	_ =	strace s18  }
0x93: {  	s3 =	sld [smem:$0x3FFC];
	_ =	sdelay $0x3  }
0x94: {  	_ =	strace s3  }
0x95: {  	s3 =	sld [smem:$0x3FFD];
	_ =	sdelay $0x3  }
0x96: {  	_ =	strace s3  }
0x97: {  	_ =	strace $0x8FFFFFFF  }
0x98: {  	s19 =	sld [smem:$0x3FDB];
	_ =	sdelay $0x1  }
0x99: {  	s4 =	simm.s32 $_scs_section_size  }
0x9a: {  	s5 =	simm.s32 $_size__tile_overlayer_lowered;
	s6 =	simm.s32 $_tile_overlayer_lowered  }
0x9b: {  	s22 =	simm.s32 $0x1BFF;
	s21 =	sshll.u32 s6, $0x1;
	s3 =	sadd.s32 s4, s19  }
0x9c: {  	s7 =	simm.s32 $0x0;
	s20 =	sshll.u32 s5, $0x1;
	s5 =	sadd.s32 s21, s3  }
0x9d: {  	[timem:s7], [sflag:s22] =	dma.local [hbm:s5], s20  }
0x9e: {  	_ =	swait.ge [sflag:s22], s20  }
0x9f: {  	s4 =	ssub.s32 $0x0, s20;
	[sflag:s22] =	ssyncset.done $0x0  }
0xa0: {  	[sflag:s22] =	ssyncadd.s32 s4;
	_ =	sdelay $0x1  }
0xa1: {  	s23 =	simm.s32 $0x1B8B  }
0xa2: {  	_ =	swait.ge [sflag:s23], $0x1  }
0xa3: {  	[sflag:s23] =	ssyncset.done $0x0  }
0xa4: {  	s25 =	simm.s32 $0x1B8E;
	s24 =	sld [smem:$0x3FFE];
	[sflag:s23] =	ssyncadd.s32 $0xFFFFFFFF  }
0xa5: {  	s26 =	simm.s32 $execute0_lowered;
	[smem:$0x3FD2] =	sst s25  }
0xa6: {  	s5 =	sshll.u32 s26, $0x1;
	_ =	strace $0x80000046;
	[dreg:$0x1] =	wrdreg $0xFFFFFFFF  }
0xa7: {  	s28 =	simm.s32 $_size_execute0_lowered;
	s3 =	sadd.s32 s3, s5;
	[dreg:$0x0] =	wrdreg $0x0  }
0xa8: {  	s5 =	sshll.u32 s28, $0x1;
	[dreg:$0x2] =	wrdreg s3  }
0xa9: {  	[dreg:$0x3] =	wrdreg s5  }
0xaa: {  	[dreg:$0x4] =	wrdreg $0xC0  }
0xab: {  	_ =	task [dreg:s7], $0x5FFFF  }
0xac: {  	[dreg:$0x1] =	wrdreg $0xFFFFFFFF  }
0xad: {  	[dreg:$0x0] =	wrdreg $0x60  }
0xae: {  	[dreg:$0x2] =	wrdreg s2  }
0xaf: {  	[dreg:$0x3] =	wrdreg s24  }
0xb0: {  	[dreg:$0x4] =	wrdreg $0x58000  }
0xb1: {  	[dreg:$0x5] =	wrdreg $0x9  }
0xb2: {  	_ =	task.clear_ibuf [dreg:s7], $0x6FFFF;
	_ =	strace $0x90000046  }
0xb3: {  	s29 =	simm.s32 $0x9;
	_ =	strace $0x80000048  }
0xb4: {  	_ =	swait.ge [sflag:s29], $0x1  }
0xb5: {  	[sflag:s29] =	ssyncadd.s32 $0xFFFFFFFF  }
0xb6: {  	_ =	strace $0x90000048  }
0xb7: {  	_ =	sfence  }
0xb8: {  	s30 =	sld [smem:$0x0];
	_ =	sdelay $0x2  }
0xb9: {  	s31 =	sshll.u32 s1, $0xD;
	s1 =	sshrl.u32 s1, $0x2  }
0xba: {  	s3 =	sand.u32 $0x4000, s31;
	s1 =	sadd.s32 s1, s30  }
0xbb: {  	s0 =	sor.u32 s3, s0;
	s1 =	sshll.u32 s1, $0x11  }
0xbc: {  	s0 =	sor.u32 s1, s0  }
0xbd: {  	s0 =	sadd.s32 $0x8F2B, s0  }
0xbe: {  	[sflag:s0] =	ssyncadd.remote.s32 $0x1  }
0xbf: {  	_ =	sfence.sel $0xFFFF  }
0xc0: {  	[dreg:$0x0] =	wrdreg $0xFFFFFFFF;
	(pc) =	sbr.abs _section_cstart, $3  }
0xc1: {  	[dreg:$0x1] =	wrdreg $0xFFFFFFFF  }
0xc2: {  	_ =	task.clear_ibuf [dreg:s7], $0x2FFFF;
	_ =	strace $0x9FFFFFFF  }
0xc3: {  	(tm) =	ssettm $0x7FFFFFFF  }
tec
execute0_lowered:
.L_overlay_start_1:
0x0: {  	(tag) =	ssettag $0x1  }
0x1: {  	s7 =	rddreg [dreg:$0x0]  }
0x2: {  	s5 =	rddreg [dreg:$0x1]  }
0x3: {  	s2 =	rddreg [dreg:$0x2]  }
0x4: {  	s0 =	rddreg [dreg:$0x3]  }
0x5: {  	s1 =	stileid.u32;
	s4 =	srdreg.scid;
	s3 =	simm.s32 $0x0  }
0x6: {  	s14 =	simm.s32 $0x1;
	s15 =	simm.s32 $0x0;
	s6 =	smul.u32 $0x5000, s1  }
0x7: {  	s8 =	sand.u32 $0x1, s4;
	[smem:$0x7FF] =	sst s3;
	s4 =	sadd.s32 $0xE00, s5  }
0x8: {  	s12 =	sshll.u32 s1, $0x1;
	s31 =	sshll.u32 s1, $0x6;
	s9 =	smul.u32 $0x50000, s8  }
0x9: {  	_ =	strace $0x80000047;
	s11 =	ssub.s32 $0x2, s8;
	s8 =	sor.u32 s8, s12  }
0xa: {  	s12 =	simm.s32 $0x5000;
	s29 =	sshrl.u32 s6, $0x3;
	s30 =	sshrl.u32 s11, $0x1  }
0xb: {  	s8 =	smul.u32 $0xA00, s8;
	s13 =	sadd.s32 s6, s2;
	s9 =	sadd.s32 s6, s9  }
0xc: {  	s10 =	sadd.s32 s29, s5;
	s11 =	ssub.s32 s11, s30;
	s9 =	sshrl.u32 s9, $0x3  }
0xd: {  	s6 =	sor.u32 $0x1C02, s31;
	s7 =	sadd.s32 s7, s8;
	s9 =	sadd.s32 s9, s5  }
0xe: {  	s5 =	sadd.s32 $0x1000, s10;
	s10 =	sshrl.u32 s13, $0x3;
	s13 =	simm.s32 $0x80  }
0xf: {  	s8 =	sadd.s32 $0xB000, s9;
	s9 =	smax.u32 s11, $0x1;
	s11 =	simm.s32 $0x2  }
.LBB2_1:
0x10: {  	[spmem:s10], [sflag:s6] =	dma.local [hbm:s5], $0xA00  }
0x11: {  	_ =	swait.ge [sflag:s11], $0xA00  }
0x12: {  	[sflag:s11] =	ssyncset.done $0x0  }
0x13: {  	[sflag:s11] =	ssyncadd.s32 $0xFFFFF600  }
0x14: {  	[tilespmem:s12], [sflag:$0x2] =	stream.linear.gather [hbm4b:s4+s3], $0x800, $0x38;
	[tilespmem:$0xA800] =	vst v63  }
0x15: {  	_ =	swait.ge [sflag:s11], $0x800  }
0x16: {  	[sflag:s11] =	ssyncset.done $0x0  }
0x17: {  	[sflag:s11] =	ssyncadd.s32 $0xFFFFF800  }
0x18: {  	[tilespmem:s3], [sflag:$0x2] =	stream.linear.gather [hbm4b:s7+s3], $0x5000, $0x38;
	[tilespmem:$0xA800] =	vst v63  }
0x19: {  	_ =	swait.ge [sflag:s11], $0x5000  }
0x1a: {  	[sflag:s11] =	ssyncset.done $0x0  }
0x1b: {  	[sflag:s11] =	ssyncadd.s32 $0xFFFFB000  }
0x1c: {  	s16 =	simm.s32 $0x0;
	[bflag:$0x0] =	sbarrier.arrive $0xFFFF  }
0x1d: {  	[spmem:s2] =	stream.indirect.scatter.add.f32 [tilespmem:s12], [sflag:$0x1], $0x10, s16, s13, $0xb8;
	[tilespmem:$0xA800] =	vst v63  }
0x1e: {  	s24 =	simm.s32 $0x80  }
0x1f: {  	[spmem:s2] =	stream.indirect.scatter.add.f32 [tilespmem:s12], [sflag:$0x1], $0x10, s24, s13, $0xb8;
	[tilespmem:$0xA800] =	vst v63  }
0x20: {  	s25 =	simm.s32 $0x100  }
0x21: {  	[spmem:s2] =	stream.indirect.scatter.add.f32 [tilespmem:s12], [sflag:$0x1], $0x10, s25, s13, $0xb8;
	[tilespmem:$0xA800] =	vst v63  }
0x22: {  	s26 =	simm.s32 $0x180  }
0x23: {  	[spmem:s2] =	stream.indirect.scatter.add.f32 [tilespmem:s12], [sflag:$0x1], $0x10, s26, s13, $0xb8;
	[tilespmem:$0xA800] =	vst v63  }
0x24: {  	s28 =	simm.s32 $0x200  }
0x25: {  	[spmem:s2] =	stream.indirect.scatter.add.f32 [tilespmem:s12], [sflag:$0x1], $0x10, s28, s13, $0xb8;
	[tilespmem:$0xA800] =	vst v63  }
0x26: {  	s29 =	simm.s32 $0x280  }
0x27: {  	[spmem:s2] =	stream.indirect.scatter.add.f32 [tilespmem:s12], [sflag:$0x1], $0x10, s29, s13, $0xb8;
	[tilespmem:$0xA800] =	vst v63  }
0x28: {  	s30 =	simm.s32 $0x300  }
0x29: {  	[spmem:s2] =	stream.indirect.scatter.add.f32 [tilespmem:s12], [sflag:$0x1], $0x10, s30, s13, $0xb8;
	[tilespmem:$0xA800] =	vst v63  }
0x2a: {  	s31 =	simm.s32 $0x380  }
0x2b: {  	[spmem:s2] =	stream.indirect.scatter.add.f32 [tilespmem:s12], [sflag:$0x1], $0x10, s31, s13, $0xb8;
	[tilespmem:$0xA800] =	vst v63  }
0x2c: {  	_ =	swait.ge [sflag:s14], $0x800  }
0x2d: {  	[sflag:s14] =	ssyncset.done $0x0  }
0x2e: {  	[sflag:s14] =	ssyncadd.s32 $0xFFFFF800  }
0x2f: {  	_ =	swait.ge [sflag:s14], $0x800  }
0x30: {  	[sflag:s14] =	ssyncset.done $0x0  }
0x31: {  	[sflag:s14] =	ssyncadd.s32 $0xFFFFF800  }
0x32: {  	_ =	swait.ge [sflag:s14], $0x800  }
0x33: {  	[sflag:s14] =	ssyncset.done $0x0  }
0x34: {  	[sflag:s14] =	ssyncadd.s32 $0xFFFFF800  }
0x35: {  	_ =	swait.ge [sflag:s14], $0x800  }
0x36: {  	[sflag:s14] =	ssyncset.done $0x0  }
0x37: {  	[sflag:s14] =	ssyncadd.s32 $0xFFFFF800  }
0x38: {  	_ =	swait.ge [sflag:s14], $0x800  }
0x39: {  	[sflag:s14] =	ssyncset.done $0x0  }
0x3a: {  	[sflag:s14] =	ssyncadd.s32 $0xFFFFF800  }
0x3b: {  	_ =	swait.ge [sflag:s14], $0x800  }
0x3c: {  	[sflag:s14] =	ssyncset.done $0x0  }
0x3d: {  	[sflag:s14] =	ssyncadd.s32 $0xFFFFF800  }
0x3e: {  	_ =	swait.ge [sflag:s14], $0x800  }
0x3f: {  	[sflag:s14] =	ssyncset.done $0x0  }
0x40: {  	[sflag:s14] =	ssyncadd.s32 $0xFFFFF800  }
0x41: {  	_ =	swait.ge [sflag:s14], $0x800  }
0x42: {  	s18 =	simm.s32 $0x2000;
	s16 =	simm.s32 $0x1000;
	[sflag:s14] =	ssyncset.done $0x0  }
.LBB2_2:
0x43: {  	s19 =	sshra.s32 s16, $0x2  }
0x44: {  	[sflag:s14] =	ssyncadd.s32 $0xFFFFF800;
	s16 =	smov.u32 s18;
	s17 =	sadd.s32 $0x1000, s18  }
0x45: {  	[spmem:s2] =	stream.indirect.scatter.add.f32 [tilespmem:s12], [sflag:$0x1], $0x10, s19, s13, $0xb8;
	[tilespmem:$0xA800] =	vst v63  }
0x46: {  	p0 =	sne.s32 s18, $0x13000;
	s18 =	sadd.s32 $0x80, s19  }
0x47: {  	[spmem:s2] =	stream.indirect.scatter.add.f32 [tilespmem:s12], [sflag:$0x1], $0x10, s18, s13, $0xb8;
	[tilespmem:$0xA800] =	vst v63  }
0x48: {  	s18 =	sadd.s32 $0x100, s19  }
0x49: {  	[spmem:s2] =	stream.indirect.scatter.add.f32 [tilespmem:s12], [sflag:$0x1], $0x10, s18, s13, $0xb8;
	[tilespmem:$0xA800] =	vst v63  }
0x4a: {  	s18 =	sadd.s32 $0x180, s19  }
0x4b: {  	[spmem:s2] =	stream.indirect.scatter.add.f32 [tilespmem:s12], [sflag:$0x1], $0x10, s18, s13, $0xb8;
	[tilespmem:$0xA800] =	vst v63  }
0x4c: {  	s18 =	sadd.s32 $0x200, s19  }
0x4d: {  	[spmem:s2] =	stream.indirect.scatter.add.f32 [tilespmem:s12], [sflag:$0x1], $0x10, s18, s13, $0xb8;
	[tilespmem:$0xA800] =	vst v63  }
0x4e: {  	s18 =	sadd.s32 $0x280, s19  }
0x4f: {  	[spmem:s2] =	stream.indirect.scatter.add.f32 [tilespmem:s12], [sflag:$0x1], $0x10, s18, s13, $0xb8;
	[tilespmem:$0xA800] =	vst v63  }
0x50: {  	s18 =	sadd.s32 $0x300, s19  }
0x51: {  	[spmem:s2] =	stream.indirect.scatter.add.f32 [tilespmem:s12], [sflag:$0x1], $0x10, s18, s13, $0xb8;
	[tilespmem:$0xA800] =	vst v63  }
0x52: {  	s18 =	sadd.s32 $0x380, s19  }
0x53: {  	[spmem:s2] =	stream.indirect.scatter.add.f32 [tilespmem:s12], [sflag:$0x1], $0x10, s18, s13, $0xb8;
	[tilespmem:$0xA800] =	vst v63  }
0x54: {  	_ =	swait.ge [sflag:s14], $0x800  }
0x55: {  	[sflag:s14] =	ssyncset.done $0x0  }
0x56: {  	[sflag:s14] =	ssyncadd.s32 $0xFFFFF800  }
0x57: {  	_ =	swait.ge [sflag:s14], $0x800  }
0x58: {  	[sflag:s14] =	ssyncset.done $0x0  }
0x59: {  	[sflag:s14] =	ssyncadd.s32 $0xFFFFF800  }
0x5a: {  	_ =	swait.ge [sflag:s14], $0x800  }
0x5b: {  	[sflag:s14] =	ssyncset.done $0x0  }
0x5c: {  	[sflag:s14] =	ssyncadd.s32 $0xFFFFF800  }
0x5d: {  	_ =	swait.ge [sflag:s14], $0x800  }
0x5e: {  	[sflag:s14] =	ssyncset.done $0x0  }
0x5f: {  	[sflag:s14] =	ssyncadd.s32 $0xFFFFF800  }
0x60: {  	_ =	swait.ge [sflag:s14], $0x800  }
0x61: {  	[sflag:s14] =	ssyncset.done $0x0  }
0x62: {  	[sflag:s14] =	ssyncadd.s32 $0xFFFFF800  }
0x63: {  	_ =	swait.ge [sflag:s14], $0x800  }
0x64: {  	[sflag:s14] =	ssyncset.done $0x0  }
0x65: {  	[sflag:s14] =	ssyncadd.s32 $0xFFFFF800  }
.Ltmp0:
0x66: {  	_ =	swait.ge [sflag:s14], $0x800;
	(pc) =	sbr.rel @p0 .LBB2_2-.Ltmp0, $4  }
0x67: {  	[sflag:s14] =	ssyncset.done $0x0  }
0x68: {  	[sflag:s14] =	ssyncadd.s32 $0xFFFFF800  }
0x69: {  	_ =	swait.ge [sflag:s14], $0x800  }
0x6a: {  	s18 =	smov.u32 s17;
	[sflag:s14] =	ssyncset.done $0x0  }
0x6b: {  	s16 =	sshra.s32 s16, $0x2;
	[sflag:s14] =	ssyncadd.s32 $0xFFFFF800  }
0x6c: {  	[spmem:s2] =	stream.indirect.scatter.add.f32 [tilespmem:s12], [sflag:$0x1], $0x10, s16, s13, $0xb8;
	[tilespmem:$0xA800] =	vst v63  }
0x6d: {  	s17 =	sadd.s32 $0x80, s16  }
0x6e: {  	[spmem:s2] =	stream.indirect.scatter.add.f32 [tilespmem:s12], [sflag:$0x1], $0x10, s17, s13, $0xb8;
	[tilespmem:$0xA800] =	vst v63  }
0x6f: {  	s26 =	sadd.s32 $0x100, s16  }
0x70: {  	[spmem:s2] =	stream.indirect.scatter.add.f32 [tilespmem:s12], [sflag:$0x1], $0x10, s26, s13, $0xb8;
	[tilespmem:$0xA800] =	vst v63  }
0x71: {  	s28 =	sadd.s32 $0x180, s16  }
0x72: {  	[spmem:s2] =	stream.indirect.scatter.add.f32 [tilespmem:s12], [sflag:$0x1], $0x10, s28, s13, $0xb8;
	[tilespmem:$0xA800] =	vst v63  }
0x73: {  	s29 =	sadd.s32 $0x200, s16  }
0x74: {  	[spmem:s2] =	stream.indirect.scatter.add.f32 [tilespmem:s12], [sflag:$0x1], $0x10, s29, s13, $0xb8;
	[tilespmem:$0xA800] =	vst v63  }
0x75: {  	s30 =	sadd.s32 $0x280, s16  }
0x76: {  	[spmem:s2] =	stream.indirect.scatter.add.f32 [tilespmem:s12], [sflag:$0x1], $0x10, s30, s13, $0xb8;
	[tilespmem:$0xA800] =	vst v63  }
0x77: {  	s31 =	sadd.s32 $0x300, s16  }
0x78: {  	[spmem:s2] =	stream.indirect.scatter.add.f32 [tilespmem:s12], [sflag:$0x1], $0x10, s31, s13, $0xb8;
	[tilespmem:$0xA800] =	vst v63  }
0x79: {  	s16 =	sadd.s32 $0x380, s16  }
0x7a: {  	[spmem:s2] =	stream.indirect.scatter.add.f32 [tilespmem:s12], [sflag:$0x1], $0x10, s16, s13, $0xb8;
	[tilespmem:$0xA800] =	vst v63  }
0x7b: {  	_ =	swait.ge [sflag:s14], $0x800  }
0x7c: {  	[sflag:s14] =	ssyncset.done $0x0  }
0x7d: {  	[sflag:s14] =	ssyncadd.s32 $0xFFFFF800  }
0x7e: {  	_ =	swait.ge [sflag:s14], $0x800  }
0x7f: {  	[sflag:s14] =	ssyncset.done $0x0  }
0x80: {  	[sflag:s14] =	ssyncadd.s32 $0xFFFFF800  }
0x81: {  	_ =	swait.ge [sflag:s14], $0x800  }
0x82: {  	[sflag:s14] =	ssyncset.done $0x0  }
0x83: {  	[sflag:s14] =	ssyncadd.s32 $0xFFFFF800  }
0x84: {  	_ =	swait.ge [sflag:s14], $0x800  }
0x85: {  	[sflag:s14] =	ssyncset.done $0x0  }
0x86: {  	[sflag:s14] =	ssyncadd.s32 $0xFFFFF800  }
0x87: {  	_ =	swait.ge [sflag:s14], $0x800  }
0x88: {  	[sflag:s14] =	ssyncset.done $0x0  }
0x89: {  	[sflag:s14] =	ssyncadd.s32 $0xFFFFF800  }
0x8a: {  	_ =	swait.ge [sflag:s14], $0x800  }
0x8b: {  	[sflag:s14] =	ssyncset.done $0x0  }
0x8c: {  	[sflag:s14] =	ssyncadd.s32 $0xFFFFF800  }
0x8d: {  	_ =	swait.ge [sflag:s14], $0x800  }
0x8e: {  	[sflag:s14] =	ssyncset.done $0x0  }
0x8f: {  	[sflag:s14] =	ssyncadd.s32 $0xFFFFF800  }
0x90: {  	_ =	swait.ge [sflag:s14], $0x800  }
0x91: {  	s15 =	sadd.s32 $0x1, s15;
	[sflag:s14] =	ssyncset.done $0x0  }
0x92: {  	p0 =	sne.s32 s15, s9;
	[sflag:s14] =	ssyncadd.s32 $0xFFFFF800  }
.Ltmp1:
0x93: {  	[bflag:$0x0] =	sbarrier.arrive $0xFFFF;
	(pc) =	sbr.rel @p0 .LBB2_1-.Ltmp1, $4  }
0x94: {  	[hbm:s8], [sflag:s6] =	dma.local [spmem:s10], $0xA00  }
0x95: {  	_ =	swait.ge [sflag:s11], $0xA00  }
0x96: {  	[sflag:s11] =	ssyncset.done $0x0  }
0x97: {  	[sflag:s11] =	ssyncadd.s32 $0xFFFFF600  }
0x98: {  	_ =	sfence.sel $0x180000  }
0x99: {  	[bflag:$0x0] =	sbarrier.arrive $0xFFFF  }
0x9a: {  	p0 =	sne.s32 s1, $0x0;
	_ =	strace $0x90000047  }
0x9b: {  	s0 =	sadd.s32 @!p0 $0x100000, s0;
	[bflag:$0x2] =	sbarrier.arrive $0xFFFF  }
0x9c: {  	[sflag:s0] =	ssyncadd.tile.s32 @!p0 $0x1;
	_ =	shalt  }
.Lfunc_end2:
_tile_overlayer_lowered:
.L_overlay_start_2:
0x9d: {  	(tag) =	ssettag $0x2  }
0x9e: {  	s0 =	rddreg [dreg:$0x0];
	s2 =	stileid.u32  }
0x9f: {  	s1 =	rddreg [dreg:$0x1];
	p0 =	sne.s32 s2, $0x0  }
0xa0: {  	s3 =	rddreg [dreg:$0x2];
	[bflag:$0x3] =	sbarrier.arrive $0xFFFF;
	s2 =	simm.s32 @!p0 $0x1C02  }
0xa1: {  	[timem:s3], [sflag:s2] =	dma.local @!p0 [hbm:s0], s1  }
0xa2: {  	s0 =	simm.s32 @!p0 $0x2  }
0xa3: {  	_ =	swait.ge @!p0 [sflag:s0], s1  }
0xa4: {  	s1 =	ssub.s32 @!p0 $0x0, s1;
	[sflag:s0] =	ssyncset.done @!p0 $0x0  }
0xa5: {  	[sflag:s0] =	ssyncadd.s32 @!p0 s1  }
0xa6: {  	[bflag:$0x3] =	sbarrier.arrive $0xFFFF  }
0xa7: {  	_ =	shalt  }

// kernel: kernel.9.cloned.1.call-start
scs
__scs_entry_jumppad:
0x0: {  	(pc) =	sbr.rel $0x88, $3  }
0x1: {  	(tag) =	ssettag $0x0;
	lr =	simm.s32 $0x1  }
0x2: {  	[smem:$0x3F9D] =	sst lr;
	_ =	strace $0xD0000000  }
0x3: {  	_ = 	snop  }
0x4: {  	_ = 	snop  }
0x5: {  	_ = 	snop  }
0x6: {  	_ = 	snop  }
0x7: {  	_ = 	snop  }
__scs_overlays_trampoline_lowered:
0x8: {  	[smem:$0x3FAC] =	sst s0  }
0x9: {  	[smem:$0x3FAD] =	sst s1  }
0xa: {  	[smem:$0x3FAE] =	sst s2  }
0xb: {  	[smem:$0x3FAF] =	sst s3  }
0xc: {  	[smem:$0x3FB0] =	sst s4  }
0xd: {  	[smem:$0x3FB1] =	sst s5  }
0xe: {  	[smem:$0x3FB2] =	sst s6  }
0xf: {  	[smem:$0x3FB3] =	sst s7  }
0x10: {  	[smem:$0x3FB4] =	sst s8  }
0x11: {  	[smem:$0x3FB5] =	sst s9;
	s0 =	simm.s32 @!p0 $0x0  }
0x12: {  	s1 =	sld [smem:$0x3F9B];
	s0 =	simm.s32 @p0 $0x1  }
0x13: {  	[smem:$0x3FB6] =	sst s0;
	s0 =	simm.s32 @!p1 $0x0  }
0x14: {  	s2 =	sld [smem:$0x3F9A];
	s0 =	simm.s32 @p1 $0x1  }
0x15: {  	[smem:$0x3FB7] =	sst s0;
	s0 =	simm.s32 @!p2 $0x0  }
0x16: {  	s3 =	sld [smem:$0x3FDB];
	s0 =	simm.s32 @p2 $0x1  }
0x17: {  	s4 =	simm.s32 $0x1BF5;
	[smem:$0x3FB9] =	sst s0  }
0x18: {  	s0 =	sld [smem:$0x3F9C];
	_ =	swait.ge [sflag:s4], $0x0  }
0x19: {  	s7 =	sld [smem:$0x3F9D]  }
0x1a: {  	s8 =	sadd.s32 $0xFFFFE003, lr  }
0x1b: {  	s9 =	sadd.s32 $0xFFFFFEF7, lr;
	s5 =	simm.s32 $0xFFFFFFFF;
	p2 =	slt.u32 s8, $0xFFFFF086  }
0x1c: {  	p1 =	slt.u32 s9, $0xF7A;
	s5 =	simm.s32 @!p2 $0x0  }
0x1d: {  	s5 =	simm.s32 @p1 $0x1;
	p0 =	seq.s32 s7, s2  }
0x1e: {  	s7 =	smul.u32 @!p0 $0xF7A, s2;
	p2 =	seq.s32 @!p0 s5, $0x0  }
0x1f: {  	s9 =	smul.u32 $0xF7A, s1;
	s8 =	simm.s32 @!p0 $0x1BF5;
	p2 =	por !p2, p0  }
0x20: {  	[sflag:s8] =	ssyncset.s32 @!p0 $0xFFFFF086;
	s6 =	sadd.s32 @!p0 s3, s7;
	s7 =	simm.s32 @!p0 $0x108  }
0x21: {  	s3 =	sadd.s32 s3, s9;
	s6 =	sadd.s32 @!p0 $0x88, s6;
	s7 =	simm.s32 @p2 $0x1082  }
0x22: {  	[simem:s7], [sflag:s8] =	dma.local @!p0 [hbm:s6], $0xF7A  }
0x23: {  	s9 =	sor.u32 $0xD0000000, s2;
	s6 =	simm.s32 $0x108;
	_ =	swait.ge @!p0 [sflag:s8], $0x0  }
0x24: {  	s3 =	sadd.s32 $0x88, s3;
	s6 =	simm.s32 @!p1 $0x1082;
	[sflag:s4] =	ssyncset.s32 $0xFFFFF086  }
0x25: {  	[simem:s6], [sflag:s4] =	dma.local [hbm:s3], $0xF7A  }
0x26: {  	[smem:$0x3F9D] =	sst s1;
	(tag) =	ssettag s2;
	_ =	strace s9  }
0x27: {  	s1 =	sld [smem:$0x3FAD]  }
0x28: {  	s2 =	sld [smem:$0x3FAE]  }
0x29: {  	s4 =	sld [smem:$0x3FB0]  }
0x2a: {  	p0 =	seq.s32 s5, $0x0;
	s5 =	sld [smem:$0x3FB1]  }
0x2b: {  	s6 =	sld [smem:$0x3FB2]  }
0x2c: {  	s7 =	sld [smem:$0x3FB3]  }
0x2d: {  	s3 =	simm.s32 $0x108;
	s8 =	sld [smem:$0x3FB4]  }
0x2e: {  	s3 =	simm.s32 @!p0 $0x1082;
	s9 =	sld [smem:$0x3FB5]  }
0x2f: {  	lr =	sadd.s32 s0, s3;
	s0 =	sld [smem:$0x3FAC]  }
0x30: {  	s3 =	sld [smem:$0x3FAF]  }
0x31: {  	[smem:$0x3FB8] =	sst s10  }
0x32: {  	s10 =	sld [smem:$0x3FB6];
	_ =	sdelay $0x3  }
0x33: {  	p0 =	seq.s32 s10, $0x1;
	s10 =	sld [smem:$0x3FB8];
	_ =	sdelay $0x3  }
0x34: {  	[smem:$0x3FB8] =	sst s10  }
0x35: {  	s10 =	sld [smem:$0x3FB7];
	_ =	sdelay $0x3  }
0x36: {  	p1 =	seq.s32 s10, $0x1;
	s10 =	sld [smem:$0x3FB8];
	_ =	sdelay $0x3  }
0x37: {  	[smem:$0x3FB8] =	sst s10  }
0x38: {  	s10 =	sld [smem:$0x3FB9]  }
0x39: {  	_ = 	snop;
	(pc) =	sbr.ind lr, $3  }
0x3a: {  	_ = 	snop  }
0x3b: {  	_ = 	snop  }
0x3c: {  	p2 =	seq.s32 s10, $0x1;
	s10 =	sld [smem:$0x3FB8]  }
0x3d: {  	_ =	shalt  }
0x3e: {  	_ =	shalt  }
0x3f: {  	_ =	shalt  }
0x40: {  	_ =	shalt  }
0x41: {  	_ =	shalt  }
0x42: {  	_ =	shalt  }
0x43: {  	_ =	shalt  }
0x44: {  	_ =	shalt  }
0x45: {  	_ =	shalt  }
0x46: {  	_ =	shalt  }
0x47: {  	_ =	shalt  }
0x48: {  	_ =	shalt  }
0x49: {  	_ =	shalt  }
0x4a: {  	_ =	shalt  }
0x4b: {  	_ =	shalt  }
0x4c: {  	_ =	shalt  }
0x4d: {  	_ =	shalt  }
0x4e: {  	_ =	shalt  }
0x4f: {  	_ =	shalt  }
0x50: {  	_ =	shalt  }
0x51: {  	_ =	shalt  }
0x52: {  	_ =	shalt  }
0x53: {  	_ =	shalt  }
0x54: {  	_ =	shalt  }
0x55: {  	_ =	shalt  }
0x56: {  	_ =	shalt  }
0x57: {  	_ =	shalt  }
0x58: {  	_ =	shalt  }
0x59: {  	_ =	shalt  }
0x5a: {  	_ =	shalt  }
0x5b: {  	_ =	shalt  }
0x5c: {  	_ =	shalt  }
0x5d: {  	_ =	shalt  }
0x5e: {  	_ =	shalt  }
0x5f: {  	_ =	shalt  }
0x60: {  	_ =	shalt  }
0x61: {  	_ =	shalt  }
0x62: {  	_ =	shalt  }
0x63: {  	_ =	shalt  }
0x64: {  	_ =	shalt  }
0x65: {  	_ =	shalt  }
0x66: {  	_ =	shalt  }
0x67: {  	_ =	shalt  }
0x68: {  	_ =	shalt  }
0x69: {  	_ =	shalt  }
0x6a: {  	_ =	shalt  }
0x6b: {  	_ =	shalt  }
0x6c: {  	_ =	shalt  }
0x6d: {  	_ =	shalt  }
0x6e: {  	_ =	shalt  }
0x6f: {  	_ =	shalt  }
0x70: {  	_ =	shalt  }
0x71: {  	_ =	shalt  }
0x72: {  	_ =	shalt  }
0x73: {  	_ =	shalt  }
0x74: {  	_ =	shalt  }
0x75: {  	_ =	shalt  }
0x76: {  	_ =	shalt  }
0x77: {  	_ =	shalt  }
0x78: {  	_ =	shalt  }
0x79: {  	_ =	shalt  }
0x7a: {  	_ =	shalt  }
0x7b: {  	_ =	shalt  }
0x7c: {  	_ =	shalt  }
0x7d: {  	_ =	shalt  }
0x7e: {  	_ =	shalt  }
0x7f: {  	_ =	shalt  }
0x80: {  	_ =	shalt  }
0x81: {  	_ =	shalt  }
0x82: {  	_ =	shalt  }
0x83: {  	_ =	shalt  }
0x84: {  	_ =	shalt  }
0x85: {  	_ =	shalt  }
0x86: {  	_ =	shalt  }
0x87: {  	_ =	shalt  }
.Lfunc_end0:
.L_simem_size_0:
called_computation.1_lowered:
.L_overlay_start_0:
0x88: {  	s2 =	sld [smem:$0x3FD9]  }
0x89: {  	s3 =	sld [smem:$0x3FFE];
	_ =	sdelay $0x1  }
0x8a: {  	s1 =	srdreg.scid  }
0x8b: {  	s0 =	sand.u32 $0x1, s1  }
0x8c: {  	s17 =	sshll.u32 s0, $0xA;
	s2 =	sadd.s32 s3, s2  }
0x8d: {  	s2 =	sadd.s32 s2, s17  }
0x8e: {  	[smem:$0x3FC4] =	sst s2  }
0x8f: {  	_ = 	snop  }
0x90: {  	s2 =	sld [smem:$0x3FD0];
	(tm) =	ssettm $0x1  }
0x91: {  	s18 =	sld [smem:$0x3FFB];
	_ =	sdelay $0x3  }
0x92: {  	_ =	strace s18  }
0x93: {  	s3 =	sld [smem:$0x3FFC];
	_ =	sdelay $0x3  }
0x94: {  	_ =	strace s3  }
0x95: {  	s3 =	sld [smem:$0x3FFD];
	_ =	sdelay $0x3  }
0x96: {  	_ =	strace s3  }
0x97: {  	_ =	strace $0x8FFFFFFF  }
0x98: {  	s19 =	sld [smem:$0x3FDB];
	_ =	sdelay $0x1  }
0x99: {  	s4 =	simm.s32 $_scs_section_size  }
0x9a: {  	s5 =	simm.s32 $_size__tile_overlayer_lowered;
	s6 =	simm.s32 $_tile_overlayer_lowered  }
0x9b: {  	s22 =	simm.s32 $0x1BFF;
	s21 =	sshll.u32 s6, $0x1;
	s3 =	sadd.s32 s4, s19  }
0x9c: {  	s7 =	simm.s32 $0x0;
	s20 =	sshll.u32 s5, $0x1;
	s5 =	sadd.s32 s21, s3  }
0x9d: {  	[timem:s7], [sflag:s22] =	dma.local [hbm:s5], s20  }
0x9e: {  	_ =	swait.ge [sflag:s22], s20  }
0x9f: {  	s4 =	ssub.s32 $0x0, s20;
	[sflag:s22] =	ssyncset.done $0x0  }
0xa0: {  	[sflag:s22] =	ssyncadd.s32 s4;
	_ =	sdelay $0x1  }
0xa1: {  	s23 =	simm.s32 $0x1B8B  }
0xa2: {  	_ =	swait.ge [sflag:s23], $0x1  }
0xa3: {  	[sflag:s23] =	ssyncset.done $0x0  }
0xa4: {  	s25 =	simm.s32 $0x1B8E;
	s24 =	sld [smem:$0x3FFE];
	[sflag:s23] =	ssyncadd.s32 $0xFFFFFFFF  }
0xa5: {  	s26 =	simm.s32 $execute0_lowered;
	[smem:$0x3FD2] =	sst s25  }
0xa6: {  	s5 =	sshll.u32 s26, $0x1;
	_ =	strace $0x80000049;
	[dreg:$0x1] =	wrdreg $0xFFFFFFFF  }
0xa7: {  	s28 =	simm.s32 $_size_execute0_lowered;
	s3 =	sadd.s32 s3, s5;
	[dreg:$0x0] =	wrdreg $0x0  }
0xa8: {  	s5 =	sshll.u32 s28, $0x1;
	[dreg:$0x2] =	wrdreg s3  }
0xa9: {  	[dreg:$0x3] =	wrdreg s5  }
0xaa: {  	[dreg:$0x4] =	wrdreg $0xC0  }
0xab: {  	_ =	task [dreg:s7], $0x5FFFF  }
0xac: {  	[dreg:$0x1] =	wrdreg $0xFFFFFFFF  }
0xad: {  	[dreg:$0x0] =	wrdreg $0x60  }
0xae: {  	[dreg:$0x2] =	wrdreg s2  }
0xaf: {  	[dreg:$0x3] =	wrdreg s24  }
0xb0: {  	[dreg:$0x4] =	wrdreg $0xA8000  }
0xb1: {  	[dreg:$0x5] =	wrdreg $0x9  }
0xb2: {  	_ =	task.clear_ibuf [dreg:s7], $0x6FFFF;
	_ =	strace $0x90000049  }
0xb3: {  	s29 =	simm.s32 $0x9;
	_ =	strace $0x8000004B  }
0xb4: {  	_ =	swait.ge [sflag:s29], $0x1  }
0xb5: {  	[sflag:s29] =	ssyncadd.s32 $0xFFFFFFFF  }
0xb6: {  	_ =	strace $0x9000004B  }
0xb7: {  	_ =	sfence  }
0xb8: {  	s30 =	sld [smem:$0x0];
	_ =	sdelay $0x2  }
0xb9: {  	s31 =	sshll.u32 s1, $0xD;
	s1 =	sshrl.u32 s1, $0x2  }
0xba: {  	s3 =	sand.u32 $0x4000, s31;
	s1 =	sadd.s32 s1, s30  }
0xbb: {  	s0 =	sor.u32 s3, s0;
	s1 =	sshll.u32 s1, $0x11  }
0xbc: {  	s0 =	sor.u32 s1, s0  }
0xbd: {  	s0 =	sadd.s32 $0x8F2B, s0  }
0xbe: {  	[sflag:s0] =	ssyncadd.remote.s32 $0x1  }
0xbf: {  	_ =	sfence.sel $0xFFFF  }
0xc0: {  	[dreg:$0x0] =	wrdreg $0xFFFFFFFF;
	(pc) =	sbr.abs _section_cstart, $3  }
0xc1: {  	[dreg:$0x1] =	wrdreg $0xFFFFFFFF  }
0xc2: {  	_ =	task.clear_ibuf [dreg:s7], $0x2FFFF;
	_ =	strace $0x9FFFFFFF  }
0xc3: {  	(tm) =	ssettm $0x7FFFFFFF  }
tec
execute0_lowered:
.L_overlay_start_1:
0x0: {  	(tag) =	ssettag $0x1  }
0x1: {  	s2 =	rddreg [dreg:$0x0]  }
0x2: {  	s0 =	rddreg [dreg:$0x1]  }
0x3: {  	s3 =	rddreg [dreg:$0x2]  }
0x4: {  	s1 =	stileid.u32;
	s5 =	srdreg.scid;
	s4 =	simm.s32 $0x0  }
0x5: {  	s13 =	simm.s32 $0x5;
	s14 =	simm.s32 $0x1400;
	s15 =	simm.s32 $0x40  }
0x6: {  	s16 =	simm.s32 $0x2800;
	s17 =	simm.s32 $0x4800;
	s18 =	simm.s32 $0x80  }
0x7: {  	s19 =	simm.s32 $0x6800;
	s20 =	simm.s32 $0x1;
	s21 =	simm.s32 $0x8800  }
0x8: {  	s22 =	simm.s32 $0x2;
	s23 =	simm.s32 $0x3;
	s28 =	simm.s32 $0x2740  }
0x9: {  	s29 =	simm.s32 $0x2780;
	s30 =	simm.s32 $0x27C0;
	s7 =	smul.u32 $0x13C80, s1  }
0xa: {  	s8 =	sand.u32 $0x1, s5;
	[smem:$0x7FF] =	sst s4;
	s5 =	sadd.s32 $0x1F000, s0  }
0xb: {  	s6 =	sadd.s32 $0x29000, s0;
	s12 =	sshll.u32 s1, $0x1;
	s26 =	sshll.u32 s1, $0x6  }
0xc: {  	s9 =	smul.u32 $0x13C800, s8;
	_ =	strace $0x8000004A;
	s11 =	ssub.s32 $0x2, s8  }
0xd: {  	s25 =	sor.u32 s8, s12;
	s8 =	sor.u32 $0x1C05, s26;
	s26 =	simm.s32 $0x2700  }
0xe: {  	s10 =	sshrl.u32 s7, $0x3;
	s24 =	sshrl.u32 s11, $0x1;
	s31 =	sadd.s32 s7, s3  }
0xf: {  	s9 =	sadd.s32 s7, s9;
	s10 =	sadd.s32 s10, s0;
	s11 =	ssub.s32 s11, s24  }
0x10: {  	s12 =	sshrl.u32 s31, $0x3;
	s24 =	simm.s32 $0x4;
	s9 =	sshrl.u32 s9, $0x3  }
0x11: {  	s7 =	sadd.s32 $0x33000, s10;
	s11 =	smax.u32 s11, $0x1;
	s0 =	sadd.s32 s9, s0  }
0x12: {  	s9 =	smul.u32 $0xA0, s25;
	s25 =	simm.s32 $0x13C0;
	s10 =	sadd.s32 $0x5AA00, s0  }
.LBB2_1:
0x13: {  	[spmem:s12], [sflag:s8] =	dma.local [hbm:s7], $0x2790  }
0x14: {  	_ =	swait.ge [sflag:s13], $0x2790  }
0x15: {  	[sflag:s13] =	ssyncset.done $0x0  }
0x16: {  	[sflag:s13] =	ssyncadd.s32 $0xFFFFD870  }
0x17: {  	p1 =	por $0x1, $0x1;
	s0 =	simm.s32 $0x0;
	[bflag:$0x0] =	sbarrier.arrive $0xFFFF  }
.LBB2_2:
0x18: {  	s0 =	sadd.s32 s9, s0  }
0x19: {  	s0 =	sshll.u32 s0, $0x3  }
0x1a: {  	s1 =	simm.s32 $0x0;
	s31 =	sadd.s32 s5, s0  }
0x1b: {  	[tilespmem:s1], [sflag:$0x5] =	stream.linear.gather [hbm4b:s31+s1], $0x1400, $0x38;
	[tilespmem:$0x1E480] =	vst v63  }
0x1c: {  	_ =	swait.ge [sflag:s13], $0x1400  }
0x1d: {  	[sflag:s13] =	ssyncset.done $0x0  }
0x1e: {  	s0 =	sadd.s32 s6, s0;
	[sflag:s13] =	ssyncadd.s32 $0xFFFFEC00  }
0x1f: {  	[tilespmem:s14], [sflag:$0x5] =	stream.linear.gather [hbm4b:s0+s1], $0x1400, $0x38;
	[tilespmem:$0x1E480] =	vst v63  }
0x20: {  	_ =	swait.ge [sflag:s13], $0x1400  }
0x21: {  	[sflag:s13] =	ssyncset.done $0x0  }
0x22: {  	[sflag:s13] =	ssyncadd.s32 $0xFFFFEC00  }
0x23: {  	[tilespmem:s16], [sflag:$0x1] =	stream.indirect.gather [hbm4b:s2+s15], $0x80, s1, s15, $0xb8;
	[tilespmem:$0x1E480] =	vst v63  }
0x24: {  	_ = 	snop  }
0x25: {  	[tilespmem:s17], [sflag:$0x2] =	stream.indirect.gather [hbm4b:s2+s15], $0x80, s15, s15, $0xb8;
	[tilespmem:$0x1E480] =	vst v63  }
0x26: {  	_ = 	snop  }
0x27: {  	[tilespmem:s19], [sflag:$0x3] =	stream.indirect.gather [hbm4b:s2+s15], $0x80, s18, s15, $0xb8;
	[tilespmem:$0x1E480] =	vst v63  }
0x28: {  	_ =	swait.ge [sflag:s20], $0x2000  }
0x29: {  	[sflag:s20] =	ssyncset.done $0x0  }
0x2a: {  	s1 =	simm.s32 $0xC0;
	[sflag:s20] =	ssyncadd.s32 $0xFFFFE000  }
0x2b: {  	[tilespmem:s21], [sflag:$0x4] =	stream.indirect.gather [hbm4b:s2+s15], $0x80, s1, s15, $0xb8;
	[tilespmem:$0x1E480] =	vst v63  }
0x2c: {  	s1 =	simm.s32 $0x1400  }
0x2d: {  	[spmem:s3] =	stream.indirect.scatter.add.f32 [tilespmem:s16], [sflag:$0x5], $0x80, s1, s15, $0xb8;
	[tilespmem:$0x1E480] =	vst v63  }
0x2e: {  	_ =	swait.ge [sflag:s13], $0x2000  }
0x2f: {  	[sflag:s13] =	ssyncset.done $0x0  }
0x30: {  	[sflag:s13] =	ssyncadd.s32 $0xFFFFE000  }
0x31: {  	_ =	swait.ge [sflag:s22], $0x2000  }
0x32: {  	[sflag:s22] =	ssyncset.done $0x0  }
0x33: {  	s1 =	simm.s32 $0x100;
	[sflag:s22] =	ssyncadd.s32 $0xFFFFE000  }
0x34: {  	[tilespmem:s16], [sflag:$0x1] =	stream.indirect.gather [hbm4b:s2+s15], $0x80, s1, s15, $0xb8;
	[tilespmem:$0x1E480] =	vst v63  }
0x35: {  	s1 =	simm.s32 $0x1440  }
0x36: {  	[spmem:s3] =	stream.indirect.scatter.add.f32 [tilespmem:s17], [sflag:$0x5], $0x80, s1, s15, $0xb8;
	[tilespmem:$0x1E480] =	vst v63  }
0x37: {  	_ =	swait.ge [sflag:s13], $0x2000  }
0x38: {  	[sflag:s13] =	ssyncset.done $0x0  }
0x39: {  	[sflag:s13] =	ssyncadd.s32 $0xFFFFE000  }
0x3a: {  	_ =	swait.ge [sflag:s23], $0x2000  }
0x3b: {  	[sflag:s23] =	ssyncset.done $0x0  }
0x3c: {  	s1 =	simm.s32 $0x140;
	[sflag:s23] =	ssyncadd.s32 $0xFFFFE000  }
0x3d: {  	[tilespmem:s17], [sflag:$0x2] =	stream.indirect.gather [hbm4b:s2+s15], $0x80, s1, s15, $0xb8;
	[tilespmem:$0x1E480] =	vst v63  }
0x3e: {  	s1 =	simm.s32 $0x1480  }
0x3f: {  	[spmem:s3] =	stream.indirect.scatter.add.f32 [tilespmem:s19], [sflag:$0x5], $0x80, s1, s15, $0xb8;
	[tilespmem:$0x1E480] =	vst v63  }
0x40: {  	_ =	swait.ge [sflag:s13], $0x2000  }
0x41: {  	[sflag:s13] =	ssyncset.done $0x0  }
0x42: {  	[sflag:s13] =	ssyncadd.s32 $0xFFFFE000  }
0x43: {  	_ =	swait.ge [sflag:s24], $0x2000  }
0x44: {  	[sflag:s24] =	ssyncset.done $0x0  }
0x45: {  	s1 =	simm.s32 $0x180;
	[sflag:s24] =	ssyncadd.s32 $0xFFFFE000  }
0x46: {  	[tilespmem:s19], [sflag:$0x3] =	stream.indirect.gather [hbm4b:s2+s15], $0x80, s1, s15, $0xb8;
	[tilespmem:$0x1E480] =	vst v63  }
0x47: {  	s1 =	simm.s32 $0x14C0  }
0x48: {  	[spmem:s3] =	stream.indirect.scatter.add.f32 [tilespmem:s21], [sflag:$0x5], $0x80, s1, s15, $0xb8;
	[tilespmem:$0x1E480] =	vst v63  }
0x49: {  	_ =	swait.ge [sflag:s13], $0x2000  }
0x4a: {  	p0 =	por p1, p1;
	s31 =	simm.s32 $0x400;
	[sflag:s13] =	ssyncset.done $0x0  }
.LBB2_3:
0x4b: {  	p1 =	sne.s32 s31, $0x4800  }
0x4c: {  	[sflag:s13] =	ssyncadd.s32 $0xFFFFE000;
	s0 =	smov.u32 s31;
	s31 =	sadd.s32 $0x400, s31  }
0x4d: {  	_ = 	snop  }
0x4e: {  	_ =	swait.ge [sflag:s20], $0x2000  }
0x4f: {  	s0 =	sshra.s32 s0, $0x2;
	[sflag:s20] =	ssyncset.done $0x0  }
0x50: {  	s1 =	sadd.s32 $0xC0, s0;
	[sflag:s20] =	ssyncadd.s32 $0xFFFFE000  }
0x51: {  	[tilespmem:s21], [sflag:$0x4] =	stream.indirect.gather [hbm4b:s2+s15], $0x80, s1, s15, $0xb8;
	[tilespmem:$0x1E480] =	vst v63  }
0x52: {  	s1 =	sadd.s32 $0x1400, s0  }
0x53: {  	[spmem:s3] =	stream.indirect.scatter.add.f32 [tilespmem:s16], [sflag:$0x5], $0x80, s1, s15, $0xb8;
	[tilespmem:$0x1E480] =	vst v63  }
0x54: {  	_ =	swait.ge [sflag:s13], $0x2000  }
0x55: {  	[sflag:s13] =	ssyncset.done $0x0  }
0x56: {  	[sflag:s13] =	ssyncadd.s32 $0xFFFFE000  }
0x57: {  	_ =	swait.ge [sflag:s22], $0x2000  }
0x58: {  	[sflag:s22] =	ssyncset.done $0x0  }
0x59: {  	s1 =	sadd.s32 $0x100, s0;
	[sflag:s22] =	ssyncadd.s32 $0xFFFFE000  }
0x5a: {  	[tilespmem:s16], [sflag:$0x1] =	stream.indirect.gather [hbm4b:s2+s15], $0x80, s1, s15, $0xb8;
	[tilespmem:$0x1E480] =	vst v63  }
0x5b: {  	s1 =	sadd.s32 $0x1440, s0  }
0x5c: {  	[spmem:s3] =	stream.indirect.scatter.add.f32 [tilespmem:s17], [sflag:$0x5], $0x80, s1, s15, $0xb8;
	[tilespmem:$0x1E480] =	vst v63  }
0x5d: {  	_ =	swait.ge [sflag:s13], $0x2000  }
0x5e: {  	[sflag:s13] =	ssyncset.done $0x0  }
0x5f: {  	[sflag:s13] =	ssyncadd.s32 $0xFFFFE000  }
0x60: {  	_ =	swait.ge [sflag:s23], $0x2000  }
0x61: {  	[sflag:s23] =	ssyncset.done $0x0  }
0x62: {  	s1 =	sadd.s32 $0x140, s0;
	[sflag:s23] =	ssyncadd.s32 $0xFFFFE000  }
0x63: {  	[tilespmem:s17], [sflag:$0x2] =	stream.indirect.gather [hbm4b:s2+s15], $0x80, s1, s15, $0xb8;
	[tilespmem:$0x1E480] =	vst v63  }
0x64: {  	s1 =	sadd.s32 $0x1480, s0  }
0x65: {  	[spmem:s3] =	stream.indirect.scatter.add.f32 [tilespmem:s19], [sflag:$0x5], $0x80, s1, s15, $0xb8;
	[tilespmem:$0x1E480] =	vst v63  }
0x66: {  	_ =	swait.ge [sflag:s13], $0x2000  }
0x67: {  	[sflag:s13] =	ssyncset.done $0x0  }
0x68: {  	[sflag:s13] =	ssyncadd.s32 $0xFFFFE000  }
0x69: {  	_ =	swait.ge [sflag:s24], $0x2000  }
0x6a: {  	[sflag:s24] =	ssyncset.done $0x0  }
0x6b: {  	s1 =	sadd.s32 $0x180, s0;
	[sflag:s24] =	ssyncadd.s32 $0xFFFFE000  }
0x6c: {  	[tilespmem:s19], [sflag:$0x3] =	stream.indirect.gather [hbm4b:s2+s15], $0x80, s1, s15, $0xb8;
	[tilespmem:$0x1E480] =	vst v63  }
.Ltmp0:
0x6d: {  	_ = 	snop;
	(pc) =	sbr.rel @p1 .LBB2_3-.Ltmp0, $4  }
0x6e: {  	s0 =	sadd.s32 $0x14C0, s0  }
0x6f: {  	[spmem:s3] =	stream.indirect.scatter.add.f32 [tilespmem:s21], [sflag:$0x5], $0x80, s0, s15, $0xb8;
	[tilespmem:$0x1E480] =	vst v63  }
0x70: {  	_ =	swait.ge [sflag:s13], $0x2000  }
0x71: {  	[sflag:s13] =	ssyncset.done $0x0  }
0x72: {  	[sflag:s13] =	ssyncadd.s32 $0xFFFFE000  }
0x73: {  	_ =	swait.ge [sflag:s20], $0x2000  }
0x74: {  	[sflag:s20] =	ssyncset.done $0x0  }
0x75: {  	[sflag:s20] =	ssyncadd.s32 $0xFFFFE000  }
0x76: {  	[tilespmem:s21], [sflag:$0x4] =	stream.indirect.gather [hbm4b:s2+s15], $0x80, s25, s15, $0xb8;
	[tilespmem:$0x1E480] =	vst v63  }
0x77: {  	_ = 	snop  }
0x78: {  	[spmem:s3] =	stream.indirect.scatter.add.f32 [tilespmem:s16], [sflag:$0x5], $0x80, s26, s15, $0xb8;
	[tilespmem:$0x1E480] =	vst v63  }
0x79: {  	_ =	swait.ge [sflag:s13], $0x2000  }
0x7a: {  	[sflag:s13] =	ssyncset.done $0x0  }
0x7b: {  	[sflag:s13] =	ssyncadd.s32 $0xFFFFE000  }
0x7c: {  	_ =	swait.ge [sflag:s22], $0x2000  }
0x7d: {  	[sflag:s22] =	ssyncset.done $0x0  }
0x7e: {  	[sflag:s22] =	ssyncadd.s32 $0xFFFFE000  }
0x7f: {  	[spmem:s3] =	stream.indirect.scatter.add.f32 [tilespmem:s17], [sflag:$0x5], $0x80, s28, s15, $0xb8;
	[tilespmem:$0x1E480] =	vst v63  }
0x80: {  	_ =	swait.ge [sflag:s13], $0x2000  }
0x81: {  	[sflag:s13] =	ssyncset.done $0x0  }
0x82: {  	[sflag:s13] =	ssyncadd.s32 $0xFFFFE000  }
0x83: {  	_ =	swait.ge [sflag:s23], $0x2000  }
0x84: {  	[sflag:s23] =	ssyncset.done $0x0  }
0x85: {  	[sflag:s23] =	ssyncadd.s32 $0xFFFFE000  }
0x86: {  	[spmem:s3] =	stream.indirect.scatter.add.f32 [tilespmem:s19], [sflag:$0x5], $0x80, s29, s15, $0xb8;
	[tilespmem:$0x1E480] =	vst v63  }
0x87: {  	_ =	swait.ge [sflag:s13], $0x2000  }
0x88: {  	[sflag:s13] =	ssyncset.done $0x0  }
0x89: {  	[sflag:s13] =	ssyncadd.s32 $0xFFFFE000  }
0x8a: {  	_ =	swait.ge [sflag:s24], $0x2000  }
0x8b: {  	[sflag:s24] =	ssyncset.done $0x0  }
.Ltmp1:
0x8c: {  	[sflag:s24] =	ssyncadd.s32 $0xFFFFE000;
	(pc) =	sbr.rel @p0 .LBB2_2-.Ltmp1, $4  }
0x8d: {  	[spmem:s3] =	stream.indirect.scatter.add.f32 [tilespmem:s21], [sflag:$0x5], $0x80, s30, s15, $0xb8;
	[tilespmem:$0x1E480] =	vst v63  }
0x8e: {  	_ =	swait.ge [sflag:s13], $0x2000  }
0x8f: {  	[sflag:s13] =	ssyncset.done $0x0  }
0x90: {  	s0 =	simm.s32 $0x50;
	p1 =	por $0x0, $0x0;
	[sflag:s13] =	ssyncadd.s32 $0xFFFFE000  }
0x91: {  	s4 =	sadd.s32 $0x1, s4  }
0x92: {  	p0 =	sne.s32 s4, s11  }
.Ltmp2:
0x93: {  	[bflag:$0x0] =	sbarrier.arrive $0xFFFF;
	(pc) =	sbr.rel @p0 .LBB2_1-.Ltmp2, $4  }
0x94: {  	[hbm:s10], [sflag:s8] =	dma.local [spmem:s12], $0x2790  }
0x95: {  	_ =	swait.ge [sflag:s13], $0x2790  }
0x96: {  	[sflag:s13] =	ssyncset.done $0x0  }
0x97: {  	[sflag:s13] =	ssyncadd.s32 $0xFFFFD870  }
0x98: {  	_ =	sfence.sel $0x180000  }
0x99: {  	[bflag:$0x0] =	sbarrier.arrive $0xFFFF  }
0x9a: {  	_ =	strace $0x9000004A  }
0x9b: {  	s0 =	stileid.u32;
	[bflag:$0x2] =	sbarrier.arrive $0xFFFF  }
0x9c: {  	p0 =	sne.s32 s0, $0x0;
	s0 =	rddreg [dreg:$0x3]  }
0x9d: {  	s0 =	sadd.s32 @!p0 $0x100000, s0  }
0x9e: {  	[sflag:s0] =	ssyncadd.tile.s32 @!p0 $0x1;
	_ =	shalt  }
.Lfunc_end2:
_tile_overlayer_lowered:
.L_overlay_start_2:
0x9f: {  	(tag) =	ssettag $0x2  }
0xa0: {  	s0 =	rddreg [dreg:$0x0];
	s2 =	stileid.u32  }
0xa1: {  	s1 =	rddreg [dreg:$0x1];
	p0 =	sne.s32 s2, $0x0  }
0xa2: {  	s3 =	rddreg [dreg:$0x2];
	[bflag:$0x3] =	sbarrier.arrive $0xFFFF;
	s2 =	simm.s32 @!p0 $0x1C05  }
0xa3: {  	[timem:s3], [sflag:s2] =	dma.local @!p0 [hbm:s0], s1  }
0xa4: {  	s0 =	simm.s32 @!p0 $0x5  }
0xa5: {  	_ =	swait.ge @!p0 [sflag:s0], s1  }
0xa6: {  	s1 =	ssub.s32 @!p0 $0x0, s1;
	[sflag:s0] =	ssyncset.done @!p0 $0x0  }
0xa7: {  	[sflag:s0] =	ssyncadd.s32 @!p0 s1  }
0xa8: {  	[bflag:$0x3] =	sbarrier.arrive $0xFFFF  }
0xa9: {  	_ =	shalt  }

</sc_bundles>
